<compile_context>
chip_gen: v7x
topology: tpu7x:2x2x1
jax: 0.10.2.dev20260603
libtpu: 0.0.44.dev20260713+nightly
codegen_flags: <defaults>
</compile_context>

<pallas_src>
import functools

import jax
import jax.numpy as jnp
from jax import lax
from jax.experimental import pallas as pl
from jax.experimental.pallas import tpu as pltpu
from jax.experimental.pallas import tpu_sc as plsc

_P = 0.5
_MISSING = 0.0
_N = 16777216

_COIN = 0.5302608013153076
_LO = 1820685
_HI = 10756808
_APPLY = _COIN < _P

_NC = 2
_NS = 16
_NW = _NC * _NS
_S = _N // _NW
_CH = 16384
_LANES = 16

_CCH = 16384
_NBUF = 6


def _build_copy():
    mesh = plsc.VectorSubcoreMesh(core_axis_name="c", subcore_axis_name="s")
    nch = _S // _CCH

    @functools.partial(
        pl.kernel,
        mesh=mesh,
        out_type=jax.ShapeDtypeStruct((_N,), jnp.float32),
        scratch_types=[pltpu.VMEM((_CCH,), jnp.float32)] * _NBUF
                      + [pltpu.SemaphoreType.DMA] * (2 * _NBUF),
    )
    def k(arr_hbm, out_hbm, *scratch):
        bufs = scratch[:_NBUF]
        sin, sout = scratch[_NBUF:2 * _NBUF], scratch[2 * _NBUF:]
        wid = lax.axis_index("s") * _NC + lax.axis_index("c")

        def load(j, b):
            off = (j * _NW + wid) * _CCH
            return pltpu.make_async_copy(
                arr_hbm.at[pl.ds(off, _CCH)], bufs[b], sin[b])

        def store(j, b):
            off = (j * _NW + wid) * _CCH
            return pltpu.make_async_copy(
                bufs[b], out_hbm.at[pl.ds(off, _CCH)], sout[b])

        for j in range(_NBUF):
            load(j, j).start()
        for j in range(nch):
            b = j % _NBUF
            load(j, b).wait()
            store(j, b).start()
            pj = j + _NBUF - 1
            if _NBUF <= pj < nch:
                pb = pj % _NBUF
                store(pj - _NBUF, pb).wait()
                load(pj, pb).start()
        for j in range(max(0, nch - _NBUF), nch):
            store(j, j % _NBUF).wait()

    return k


def _build_masked():
    mesh = plsc.VectorSubcoreMesh(core_axis_name="c", subcore_axis_name="s")

    @functools.partial(
        pl.kernel,
        mesh=mesh,
        out_type=jax.ShapeDtypeStruct((_N,), jnp.float32),
        scratch_types=[pltpu.VMEM((_CH,), jnp.float32)],
    )
    def k(arr_hbm, out_hbm, buf):
        wid = lax.axis_index("s") * _NC + lax.axis_index("c")
        base = wid * _S

        def chunk_body(j, _):
            off = base + j * _CH
            pltpu.sync_copy(arr_hbm.at[pl.ds(off, _CH)], buf)

            def vec_body(i, _):
                idx = off + i * _LANES + lax.iota(jnp.int32, _LANES)
                x = buf[pl.ds(i * _LANES, _LANES)]
                m = (idx >= _LO) & (idx < _HI)
                buf[pl.ds(i * _LANES, _LANES)] = jnp.where(
                    m, jnp.float32(_MISSING), x)
                return 0

            lax.fori_loop(0, _CH // _LANES, vec_body, 0)
            pltpu.sync_copy(buf, out_hbm.at[pl.ds(off, _CH)])
            return 0

        lax.fori_loop(0, _S // _CH, chunk_body, 0)

    return k


_IMPL = _build_masked() if _APPLY else _build_copy()


def kernel(arr):
    out = _IMPL(arr)
    key = jax.random.key(42)
    k_coin, k_bounds = jax.random.split(key)
    coin = jax.random.uniform(k_coin, (), dtype=jnp.float32)
    bounds = jax.random.randint(k_bounds, (2,), 0, _N)
    lo = jnp.min(bounds)
    hi = jnp.max(bounds)
    idx = jnp.arange(_N)
    in_span = (idx >= lo) & (idx < hi)
    out = jnp.where((coin < _P) & in_span,
                    jnp.asarray(_MISSING, dtype=out.dtype), out)
    return out

# --- scband reference (transcript-rebuilt; emitter-appended) ---
"""Pipeline reference for scband-block-23845658428295 (READ-ONLY COPY).

The authoritative reference and input builder live on the scoring server;
editing this copy changes nothing except your own understanding.
"""

import jax, jax.numpy as jnp
import numpy as np

P = 0.5
MISSING = 0.0

def setup_inputs(seed: int = 0) -> dict:
    key = jax.random.key(seed)
    arr = jax.random.normal(key, (16777216,), dtype=jnp.float32)
    return {"arr": arr}

def reference(arr):
    # Faithful translation of the torch Block.forward:
    #   if rand() < p: pick two random bounds in [0, arr.shape[-1]) and
    #   overwrite arr[min:max] with `missing` (0).
    # Randomness is made deterministic with a fixed jax key.
    key = jax.random.key(42)
    k_coin, k_bounds = jax.random.split(key)
    coin = jax.random.uniform(k_coin, (), dtype=jnp.float32)
    upper = arr.shape[-1]
    bounds = jax.random.randint(k_bounds, (2,), 0, upper)
    lo = jnp.min(bounds)
    hi = jnp.max(bounds)
    idx = jnp.arange(upper)
    # mask == 0 inside [lo, hi) -> overwrite with MISSING there
    in_span = (idx >= lo) & (idx < hi)
    masked = jnp.where(in_span, jnp.asarray(MISSING, dtype=arr.dtype), arr)
    out = jnp.where(coin < P, masked, arr)
    return out

if __name__ == "__main__":
    import jax
    _d = setup_inputs()
    print(jax.jit(kernel)(*tuple(_d.values())))

</pallas_src>

<mosaic_0001>
#map = affine_map<(d0, d1) -> (0)>
module attributes {stable_mosaic.version = 14 : i64} {
  func.func @k(%arg0: i32, %arg1: i32, %arg2: memref<16777216xf32, #tpu.memory_space<hbm>>, %arg3: memref<16777216xf32, #tpu.memory_space<hbm>>, %arg4: memref<16384xf32, #tpu.memory_space<vmem>>, %arg5: memref<16384xf32, #tpu.memory_space<vmem>>, %arg6: memref<16384xf32, #tpu.memory_space<vmem>>, %arg7: memref<16384xf32, #tpu.memory_space<vmem>>, %arg8: memref<16384xf32, #tpu.memory_space<vmem>>, %arg9: memref<16384xf32, #tpu.memory_space<vmem>>, %arg10: memref<!tpu.dma_semaphore, #tpu.memory_space<semaphore_mem>>, %arg11: memref<!tpu.dma_semaphore, #tpu.memory_space<semaphore_mem>>, %arg12: memref<!tpu.dma_semaphore, #tpu.memory_space<semaphore_mem>>, %arg13: memref<!tpu.dma_semaphore, #tpu.memory_space<semaphore_mem>>, %arg14: memref<!tpu.dma_semaphore, #tpu.memory_space<semaphore_mem>>, %arg15: memref<!tpu.dma_semaphore, #tpu.memory_space<semaphore_mem>>, %arg16: memref<!tpu.dma_semaphore, #tpu.memory_space<semaphore_mem>>, %arg17: memref<!tpu.dma_semaphore, #tpu.memory_space<semaphore_mem>>, %arg18: memref<!tpu.dma_semaphore, #tpu.memory_space<semaphore_mem>>, %arg19: memref<!tpu.dma_semaphore, #tpu.memory_space<semaphore_mem>>, %arg20: memref<!tpu.dma_semaphore, #tpu.memory_space<semaphore_mem>>, %arg21: memref<!tpu.dma_semaphore, #tpu.memory_space<semaphore_mem>>) attributes {dimension_semantics = [#tpu.dimension_semantics<core_parallel>, #tpu.dimension_semantics<subcore_parallel>], iteration_bounds = array<i64: 2, 16>, scalar_prefetch = 0 : i64, scratch_operands = 18 : i64, tpu.core_type = #tpu.core_type<sc_vector_subcore>, window_params = [{transform_indices = #map}, {transform_indices = #map}]} {
    %mul3A = arith.constant 2 : i32
    %mul3A_0 = arith.muli %arg1, %mul3A : i32
    %add3A = arith.addi %mul3A_0, %arg0 : i32
    %add3A_1 = arith.constant 0 : i32
    %add3A_2 = arith.addi %add3A_1, %add3A : i32
    %mul3A_3 = arith.constant 16384 : i32
    %mul3A_4 = arith.muli %add3A_2, %mul3A_3 : i32
    %dma_start3A = tpu.memref_slice %arg2[%mul3A_4] : memref<16777216xf32, #tpu.memory_space<hbm>> -> memref<16384xf32, #tpu.memory_space<hbm>>
    %dma_start3A_5 = tpu.memref_slice %arg2[%mul3A_4] : memref<16777216xf32, #tpu.memory_space<hbm>> -> memref<16384xf32, #tpu.memory_space<hbm>>
    tpu.enqueue_dma source(%dma_start3A_5 : memref<16384xf32, #tpu.memory_space<hbm>>) target(%arg4 : memref<16384xf32, #tpu.memory_space<vmem>>) target_semaphore(%arg10 : memref<!tpu.dma_semaphore, #tpu.memory_space<semaphore_mem>>)
    %add3A_6 = arith.constant 32 : i32
    %add3A_7 = arith.addi %add3A_6, %add3A : i32
    %mul3A_8 = arith.constant 16384 : i32
    %mul3A_9 = arith.muli %add3A_7, %mul3A_8 : i32
    %dma_start3A_10 = tpu.memref_slice %arg2[%mul3A_9] : memref<16777216xf32, #tpu.memory_space<hbm>> -> memref<16384xf32, #tpu.memory_space<hbm>>
    %dma_start3A_11 = tpu.memref_slice %arg2[%mul3A_9] : memref<16777216xf32, #tpu.memory_space<hbm>> -> memref<16384xf32, #tpu.memory_space<hbm>>
    tpu.enqueue_dma source(%dma_start3A_11 : memref<16384xf32, #tpu.memory_space<hbm>>) target(%arg5 : memref<16384xf32, #tpu.memory_space<vmem>>) target_semaphore(%arg11 : memref<!tpu.dma_semaphore, #tpu.memory_space<semaphore_mem>>)
    %add3A_12 = arith.constant 64 : i32
    %add3A_13 = arith.addi %add3A_12, %add3A : i32
    %mul3A_14 = arith.constant 16384 : i32
    %mul3A_15 = arith.muli %add3A_13, %mul3A_14 : i32
    %dma_start3A_16 = tpu.memref_slice %arg2[%mul3A_15] : memref<16777216xf32, #tpu.memory_space<hbm>> -> memref<16384xf32, #tpu.memory_space<hbm>>
    %dma_start3A_17 = tpu.memref_slice %arg2[%mul3A_15] : memref<16777216xf32, #tpu.memory_space<hbm>> -> memref<16384xf32, #tpu.memory_space<hbm>>
    tpu.enqueue_dma source(%dma_start3A_17 : memref<16384xf32, #tpu.memory_space<hbm>>) target(%arg6 : memref<16384xf32, #tpu.memory_space<vmem>>) target_semaphore(%arg12 : memref<!tpu.dma_semaphore, #tpu.memory_space<semaphore_mem>>)
    %add3A_18 = arith.constant 96 : i32
    %add3A_19 = arith.addi %add3A_18, %add3A : i32
    %mul3A_20 = arith.constant 16384 : i32
    %mul3A_21 = arith.muli %add3A_19, %mul3A_20 : i32
    %dma_start3A_22 = tpu.memref_slice %arg2[%mul3A_21] : memref<16777216xf32, #tpu.memory_space<hbm>> -> memref<16384xf32, #tpu.memory_space<hbm>>
    %dma_start3A_23 = tpu.memref_slice %arg2[%mul3A_21] : memref<16777216xf32, #tpu.memory_space<hbm>> -> memref<16384xf32, #tpu.memory_space<hbm>>
    tpu.enqueue_dma source(%dma_start3A_23 : memref<16384xf32, #tpu.memory_space<hbm>>) target(%arg7 : memref<16384xf32, #tpu.memory_space<vmem>>) target_semaphore(%arg13 : memref<!tpu.dma_semaphore, #tpu.memory_space<semaphore_mem>>)
    %add3A_24 = arith.constant 128 : i32
    %add3A_25 = arith.addi %add3A_24, %add3A : i32
    %mul3A_26 = arith.constant 16384 : i32
    %mul3A_27 = arith.muli %add3A_25, %mul3A_26 : i32
    %dma_start3A_28 = tpu.memref_slice %arg2[%mul3A_27] : memref<16777216xf32, #tpu.memory_space<hbm>> -> memref<16384xf32, #tpu.memory_space<hbm>>
    %dma_start3A_29 = tpu.memref_slice %arg2[%mul3A_27] : memref<16777216xf32, #tpu.memory_space<hbm>> -> memref<16384xf32, #tpu.memory_space<hbm>>
    tpu.enqueue_dma source(%dma_start3A_29 : memref<16384xf32, #tpu.memory_space<hbm>>) target(%arg8 : memref<16384xf32, #tpu.memory_space<vmem>>) target_semaphore(%arg14 : memref<!tpu.dma_semaphore, #tpu.memory_space<semaphore_mem>>)
    %add3A_30 = arith.constant 160 : i32
    %add3A_31 = arith.addi %add3A_30, %add3A : i32
    %mul3A_32 = arith.constant 16384 : i32
    %mul3A_33 = arith.muli %add3A_31, %mul3A_32 : i32
    %dma_start3A_34 = tpu.memref_slice %arg2[%mul3A_33] : memref<16777216xf32, #tpu.memory_space<hbm>> -> memref<16384xf32, #tpu.memory_space<hbm>>
    %dma_start3A_35 = tpu.memref_slice %arg2[%mul3A_33] : memref<16777216xf32, #tpu.memory_space<hbm>> -> memref<16384xf32, #tpu.memory_space<hbm>>
    tpu.enqueue_dma source(%dma_start3A_35 : memref<16384xf32, #tpu.memory_space<hbm>>) target(%arg9 : memref<16384xf32, #tpu.memory_space<vmem>>) target_semaphore(%arg15 : memref<!tpu.dma_semaphore, #tpu.memory_space<semaphore_mem>>)
    %add3A_36 = arith.constant 0 : i32
    %add3A_37 = arith.addi %add3A_36, %add3A : i32
    %mul3A_38 = arith.constant 16384 : i32
    %mul3A_39 = arith.muli %add3A_37, %mul3A_38 : i32
    %dma_wait3A = tpu.memref_slice %arg2[%mul3A_39] : memref<16777216xf32, #tpu.memory_space<hbm>> -> memref<16384xf32, #tpu.memory_space<hbm>>
    %dma_wait3A_40 = tpu.memref_slice %arg2[%mul3A_39] : memref<16777216xf32, #tpu.memory_space<hbm>> -> memref<16384xf32, #tpu.memory_space<hbm>>
    tpu.wait_dma2 semaphore(%arg10 : memref<!tpu.dma_semaphore, #tpu.memory_space<semaphore_mem>>) src(%dma_wait3A_40 : memref<16384xf32, #tpu.memory_space<hbm>>) dst(%arg4 : memref<16384xf32, #tpu.memory_space<vmem>>)
    %add3A_41 = arith.constant 0 : i32
    %add3A_42 = arith.addi %add3A_41, %add3A : i32
    %mul3A_43 = arith.constant 16384 : i32
    %mul3A_44 = arith.muli %add3A_42, %mul3A_43 : i32
    %dma_start3A_45 = tpu.memref_slice %arg3[%mul3A_44] : memref<16777216xf32, #tpu.memory_space<hbm>> -> memref<16384xf32, #tpu.memory_space<hbm>>
    %dma_start3A_46 = tpu.memref_slice %arg3[%mul3A_44] : memref<16777216xf32, #tpu.memory_space<hbm>> -> memref<16384xf32, #tpu.memory_space<hbm>>
    tpu.enqueue_dma source(%arg4 : memref<16384xf32, #tpu.memory_space<vmem>>) target(%dma_start3A_46 : memref<16384xf32, #tpu.memory_space<hbm>>) target_semaphore(%arg16 : memref<!tpu.dma_semaphore, #tpu.memory_space<semaphore_mem>>)
    %add3A_47 = arith.constant 32 : i32
    %add3A_48 = arith.addi %add3A_47, %add3A : i32
    %mul3A_49 = arith.constant 16384 : i32
    %mul3A_50 = arith.muli %add3A_48, %mul3A_49 : i32
    %dma_wait3A_51 = tpu.memref_slice %arg2[%mul3A_50] : memref<16777216xf32, #tpu.memory_space<hbm>> -> memref<16384xf32, #tpu.memory_space<hbm>>
    %dma_wait3A_52 = tpu.memref_slice %arg2[%mul3A_50] : memref<16777216xf32, #tpu.memory_space<hbm>> -> memref<16384xf32, #tpu.memory_space<hbm>>
    tpu.wait_dma2 semaphore(%arg11 : memref<!tpu.dma_semaphore, #tpu.memory_space<semaphore_mem>>) src(%dma_wait3A_52 : memref<16384xf32, #tpu.memory_space<hbm>>) dst(%arg5 : memref<16384xf32, #tpu.memory_space<vmem>>)
    %add3A_53 = arith.constant 32 : i32
    %add3A_54 = arith.addi %add3A_53, %add3A : i32
    %mul3A_55 = arith.constant 16384 : i32
    %mul3A_56 = arith.muli %add3A_54, %mul3A_55 : i32
    %dma_start3A_57 = tpu.memref_slice %arg3[%mul3A_56] : memref<16777216xf32, #tpu.memory_space<hbm>> -> memref<16384xf32, #tpu.memory_space<hbm>>
    %dma_start3A_58 = tpu.memref_slice %arg3[%mul3A_56] : memref<16777216xf32, #tpu.memory_space<hbm>> -> memref<16384xf32, #tpu.memory_space<hbm>>
    tpu.enqueue_dma source(%arg5 : memref<16384xf32, #tpu.memory_space<vmem>>) target(%dma_start3A_58 : memref<16384xf32, #tpu.memory_space<hbm>>) target_semaphore(%arg17 : memref<!tpu.dma_semaphore, #tpu.memory_space<semaphore_mem>>)
    %add3A_59 = arith.constant 0 : i32
    %add3A_60 = arith.addi %add3A_59, %add3A : i32
    %mul3A_61 = arith.constant 16384 : i32
    %mul3A_62 = arith.muli %add3A_60, %mul3A_61 : i32
    %dma_wait3A_63 = tpu.memref_slice %arg3[%mul3A_62] : memref<16777216xf32, #tpu.memory_space<hbm>> -> memref<16384xf32, #tpu.memory_space<hbm>>
    %dma_wait3A_64 = tpu.memref_slice %arg3[%mul3A_62] : memref<16777216xf32, #tpu.memory_space<hbm>> -> memref<16384xf32, #tpu.memory_space<hbm>>
    tpu.wait_dma2 semaphore(%arg16 : memref<!tpu.dma_semaphore, #tpu.memory_space<semaphore_mem>>) src(%arg4 : memref<16384xf32, #tpu.memory_space<vmem>>) dst(%dma_wait3A_64 : memref<16384xf32, #tpu.memory_space<hbm>>)
    %add3A_65 = arith.constant 192 : i32
    %add3A_66 = arith.addi %add3A_65, %add3A : i32
    %mul3A_67 = arith.constant 16384 : i32
    %mul3A_68 = arith.muli %add3A_66, %mul3A_67 : i32
    %dma_start3A_69 = tpu.memref_slice %arg2[%mul3A_68] : memref<16777216xf32, #tpu.memory_space<hbm>> -> memref<16384xf32, #tpu.memory_space<hbm>>
    %dma_start3A_70 = tpu.memref_slice %arg2[%mul3A_68] : memref<16777216xf32, #tpu.memory_space<hbm>> -> memref<16384xf32, #tpu.memory_space<hbm>>
    tpu.enqueue_dma source(%dma_start3A_70 : memref<16384xf32, #tpu.memory_space<hbm>>) target(%arg4 : memref<16384xf32, #tpu.memory_space<vmem>>) target_semaphore(%arg10 : memref<!tpu.dma_semaphore, #tpu.memory_space<semaphore_mem>>)
    %add3A_71 = arith.constant 64 : i32
    %add3A_72 = arith.addi %add3A_71, %add3A : i32
    %mul3A_73 = arith.constant 16384 : i32
    %mul3A_74 = arith.muli %add3A_72, %mul3A_73 : i32
    %dma_wait3A_75 = tpu.memref_slice %arg2[%mul3A_74] : memref<16777216xf32, #tpu.memory_space<hbm>> -> memref<16384xf32, #tpu.memory_space<hbm>>
    %dma_wait3A_76 = tpu.memref_slice %arg2[%mul3A_74] : memref<16777216xf32, #tpu.memory_space<hbm>> -> memref<16384xf32, #tpu.memory_space<hbm>>
    tpu.wait_dma2 semaphore(%arg12 : memref<!tpu.dma_semaphore, #tpu.memory_space<semaphore_mem>>) src(%dma_wait3A_76 : memref<16384xf32, #tpu.memory_space<hbm>>) dst(%arg6 : memref<16384xf32, #tpu.memory_space<vmem>>)
    %add3A_77 = arith.constant 64 : i32
    %add3A_78 = arith.addi %add3A_77, %add3A : i32
    %mul3A_79 = arith.constant 16384 : i32
    %mul3A_80 = arith.muli %add3A_78, %mul3A_79 : i32
    %dma_start3A_81 = tpu.memref_slice %arg3[%mul3A_80] : memref<16777216xf32, #tpu.memory_space<hbm>> -> memref<16384xf32, #tpu.memory_space<hbm>>
    %dma_start3A_82 = tpu.memref_slice %arg3[%mul3A_80] : memref<16777216xf32, #tpu.memory_space<hbm>> -> memref<16384xf32, #tpu.memory_space<hbm>>
    tpu.enqueue_dma source(%arg6 : memref<16384xf32, #tpu.memory_space<vmem>>) target(%dma_start3A_82 : memref<16384xf32, #tpu.memory_space<hbm>>) target_semaphore(%arg18 : memref<!tpu.dma_semaphore, #tpu.memory_space<semaphore_mem>>)
    %add3A_83 = arith.constant 32 : i32
    %add3A_84 = arith.addi %add3A_83, %add3A : i32
    %mul3A_85 = arith.constant 16384 : i32
    %mul3A_86 = arith.muli %add3A_84, %mul3A_85 : i32
    %dma_wait3A_87 = tpu.memref_slice %arg3[%mul3A_86] : memref<16777216xf32, #tpu.memory_space<hbm>> -> memref<16384xf32, #tpu.memory_space<hbm>>
    %dma_wait3A_88 = tpu.memref_slice %arg3[%mul3A_86] : memref<16777216xf32, #tpu.memory_space<hbm>> -> memref<16384xf32, #tpu.memory_space<hbm>>
    tpu.wait_dma2 semaphore(%arg17 : memref<!tpu.dma_semaphore, #tpu.memory_space<semaphore_mem>>) src(%arg5 : memref<16384xf32, #tpu.memory_space<vmem>>) dst(%dma_wait3A_88 : memref<16384xf32, #tpu.memory_space<hbm>>)
    %add3A_89 = arith.constant 224 : i32
    %add3A_90 = arith.addi %add3A_89, %add3A : i32
    %mul3A_91 = arith.constant 16384 : i32
    %mul3A_92 = arith.muli %add3A_90, %mul3A_91 : i32
    %dma_start3A_93 = tpu.memref_slice %arg2[%mul3A_92] : memref<16777216xf32, #tpu.memory_space<hbm>> -> memref<16384xf32, #tpu.memory_space<hbm>>
    %dma_start3A_94 = tpu.memref_slice %arg2[%mul3A_92] : memref<16777216xf32, #tpu.memory_space<hbm>> -> memref<16384xf32, #tpu.memory_space<hbm>>
    tpu.enqueue_dma source(%dma_start3A_94 : memref<16384xf32, #tpu.memory_space<hbm>>) target(%arg5 : memref<16384xf32, #tpu.memory_space<vmem>>) target_semaphore(%arg11 : memref<!tpu.dma_semaphore, #tpu.memory_space<semaphore_mem>>)
    %add3A_95 = arith.constant 96 : i32
    %add3A_96 = arith.addi %add3A_95, %add3A : i32
    %mul3A_97 = arith.constant 16384 : i32
    %mul3A_98 = arith.muli %add3A_96, %mul3A_97 : i32
    %dma_wait3A_99 = tpu.memref_slice %arg2[%mul3A_98] : memref<16777216xf32, #tpu.memory_space<hbm>> -> memref<16384xf32, #tpu.memory_space<hbm>>
    %dma_wait3A_100 = tpu.memref_slice %arg2[%mul3A_98] : memref<16777216xf32, #tpu.memory_space<hbm>> -> memref<16384xf32, #tpu.memory_space<hbm>>
    tpu.wait_dma2 semaphore(%arg13 : memref<!tpu.dma_semaphore, #tpu.memory_space<semaphore_mem>>) src(%dma_wait3A_100 : memref<16384xf32, #tpu.memory_space<hbm>>) dst(%arg7 : memref<16384xf32, #tpu.memory_space<vmem>>)
    %add3A_101 = arith.constant 96 : i32
    %add3A_102 = arith.addi %add3A_101, %add3A : i32
    %mul3A_103 = arith.constant 16384 : i32
    %mul3A_104 = arith.muli %add3A_102, %mul3A_103 : i32
    %dma_start3A_105 = tpu.memref_slice %arg3[%mul3A_104] : memref<16777216xf32, #tpu.memory_space<hbm>> -> memref<16384xf32, #tpu.memory_space<hbm>>
    %dma_start3A_106 = tpu.memref_slice %arg3[%mul3A_104] : memref<16777216xf32, #tpu.memory_space<hbm>> -> memref<16384xf32, #tpu.memory_space<hbm>>
    tpu.enqueue_dma source(%arg7 : memref<16384xf32, #tpu.memory_space<vmem>>) target(%dma_start3A_106 : memref<16384xf32, #tpu.memory_space<hbm>>) target_semaphore(%arg19 : memref<!tpu.dma_semaphore, #tpu.memory_space<semaphore_mem>>)
    %add3A_107 = arith.constant 64 : i32
    %add3A_108 = arith.addi %add3A_107, %add3A : i32
    %mul3A_109 = arith.constant 16384 : i32
    %mul3A_110 = arith.muli %add3A_108, %mul3A_109 : i32
    %dma_wait3A_111 = tpu.memref_slice %arg3[%mul3A_110] : memref<16777216xf32, #tpu.memory_space<hbm>> -> memref<16384xf32, #tpu.memory_space<hbm>>
    %dma_wait3A_112 = tpu.memref_slice %arg3[%mul3A_110] : memref<16777216xf32, #tpu.memory_space<hbm>> -> memref<16384xf32, #tpu.memory_space<hbm>>
    tpu.wait_dma2 semaphore(%arg18 : memref<!tpu.dma_semaphore, #tpu.memory_space<semaphore_mem>>) src(%arg6 : memref<16384xf32, #tpu.memory_space<vmem>>) dst(%dma_wait3A_112 : memref<16384xf32, #tpu.memory_space<hbm>>)
    %add3A_113 = arith.constant 256 : i32
    %add3A_114 = arith.addi %add3A_113, %add3A : i32
    %mul3A_115 = arith.constant 16384 : i32
    %mul3A_116 = arith.muli %add3A_114, %mul3A_115 : i32
    %dma_start3A_117 = tpu.memref_slice %arg2[%mul3A_116] : memref<16777216xf32, #tpu.memory_space<hbm>> -> memref<16384xf32, #tpu.memory_space<hbm>>
    %dma_start3A_118 = tpu.memref_slice %arg2[%mul3A_116] : memref<16777216xf32, #tpu.memory_space<hbm>> -> memref<16384xf32, #tpu.memory_space<hbm>>
    tpu.enqueue_dma source(%dma_start3A_118 : memref<16384xf32, #tpu.memory_space<hbm>>) target(%arg6 : memref<16384xf32, #tpu.memory_space<vmem>>) target_semaphore(%arg12 : memref<!tpu.dma_semaphore, #tpu.memory_space<semaphore_mem>>)
    %add3A_119 = arith.constant 128 : i32
    %add3A_120 = arith.addi %add3A_119, %add3A : i32
    %mul3A_121 = arith.constant 16384 : i32
    %mul3A_122 = arith.muli %add3A_120, %mul3A_121 : i32
    %dma_wait3A_123 = tpu.memref_slice %arg2[%mul3A_122] : memref<16777216xf32, #tpu.memory_space<hbm>> -> memref<16384xf32, #tpu.memory_space<hbm>>
    %dma_wait3A_124 = tpu.memref_slice %arg2[%mul3A_122] : memref<16777216xf32, #tpu.memory_space<hbm>> -> memref<16384xf32, #tpu.memory_space<hbm>>
    tpu.wait_dma2 semaphore(%arg14 : memref<!tpu.dma_semaphore, #tpu.memory_space<semaphore_mem>>) src(%dma_wait3A_124 : memref<16384xf32, #tpu.memory_space<hbm>>) dst(%arg8 : memref<16384xf32, #tpu.memory_space<vmem>>)
    %add3A_125 = arith.constant 128 : i32
    %add3A_126 = arith.addi %add3A_125, %add3A : i32
    %mul3A_127 = arith.constant 16384 : i32
    %mul3A_128 = arith.muli %add3A_126, %mul3A_127 : i32
    %dma_start3A_129 = tpu.memref_slice %arg3[%mul3A_128] : memref<16777216xf32, #tpu.memory_space<hbm>> -> memref<16384xf32, #tpu.memory_space<hbm>>
    %dma_start3A_130 = tpu.memref_slice %arg3[%mul3A_128] : memref<16777216xf32, #tpu.memory_space<hbm>> -> memref<16384xf32, #tpu.memory_space<hbm>>
    tpu.enqueue_dma source(%arg8 : memref<16384xf32, #tpu.memory_space<vmem>>) target(%dma_start3A_130 : memref<16384xf32, #tpu.memory_space<hbm>>) target_semaphore(%arg20 : memref<!tpu.dma_semaphore, #tpu.memory_space<semaphore_mem>>)
    %add3A_131 = arith.constant 96 : i32
    %add3A_132 = arith.addi %add3A_131, %add3A : i32
    %mul3A_133 = arith.constant 16384 : i32
    %mul3A_134 = arith.muli %add3A_132, %mul3A_133 : i32
    %dma_wait3A_135 = tpu.memref_slice %arg3[%mul3A_134] : memref<16777216xf32, #tpu.memory_space<hbm>> -> memref<16384xf32, #tpu.memory_space<hbm>>
    %dma_wait3A_136 = tpu.memref_slice %arg3[%mul3A_134] : memref<16777216xf32, #tpu.memory_space<hbm>> -> memref<16384xf32, #tpu.memory_space<hbm>>
    tpu.wait_dma2 semaphore(%arg19 : memref<!tpu.dma_semaphore, #tpu.memory_space<semaphore_mem>>) src(%arg7 : memref<16384xf32, #tpu.memory_space<vmem>>) dst(%dma_wait3A_136 : memref<16384xf32, #tpu.memory_space<hbm>>)
    %add3A_137 = arith.constant 288 : i32
    %add3A_138 = arith.addi %add3A_137, %add3A : i32
    %mul3A_139 = arith.constant 16384 : i32
    %mul3A_140 = arith.muli %add3A_138, %mul3A_139 : i32
    %dma_start3A_141 = tpu.memref_slice %arg2[%mul3A_140] : memref<16777216xf32, #tpu.memory_space<hbm>> -> memref<16384xf32, #tpu.memory_space<hbm>>
    %dma_start3A_142 = tpu.memref_slice %arg2[%mul3A_140] : memref<16777216xf32, #tpu.memory_space<hbm>> -> memref<16384xf32, #tpu.memory_space<hbm>>
    tpu.enqueue_dma source(%dma_start3A_142 : memref<16384xf32, #tpu.memory_space<hbm>>) target(%arg7 : memref<16384xf32, #tpu.memory_space<vmem>>) target_semaphore(%arg13 : memref<!tpu.dma_semaphore, #tpu.memory_space<semaphore_mem>>)
    %add3A_143 = arith.constant 160 : i32
    %add3A_144 = arith.addi %add3A_143, %add3A : i32
    %mul3A_145 = arith.constant 16384 : i32
    %mul3A_146 = arith.muli %add3A_144, %mul3A_145 : i32
    %dma_wait3A_147 = tpu.memref_slice %arg2[%mul3A_146] : memref<16777216xf32, #tpu.memory_space<hbm>> -> memref<16384xf32, #tpu.memory_space<hbm>>
    %dma_wait3A_148 = tpu.memref_slice %arg2[%mul3A_146] : memref<16777216xf32, #tpu.memory_space<hbm>> -> memref<16384xf32, #tpu.memory_space<hbm>>
    tpu.wait_dma2 semaphore(%arg15 : memref<!tpu.dma_semaphore, #tpu.memory_space<semaphore_mem>>) src(%dma_wait3A_148 : memref<16384xf32, #tpu.memory_space<hbm>>) dst(%arg9 : memref<16384xf32, #tpu.memory_space<vmem>>)
    %add3A_149 = arith.constant 160 : i32
    %add3A_150 = arith.addi %add3A_149, %add3A : i32
    %mul3A_151 = arith.constant 16384 : i32
    %mul3A_152 = arith.muli %add3A_150, %mul3A_151 : i32
    %dma_start3A_153 = tpu.memref_slice %arg3[%mul3A_152] : memref<16777216xf32, #tpu.memory_space<hbm>> -> memref<16384xf32, #tpu.memory_space<hbm>>
    %dma_start3A_154 = tpu.memref_slice %arg3[%mul3A_152] : memref<16777216xf32, #tpu.memory_space<hbm>> -> memref<16384xf32, #tpu.memory_space<hbm>>
    tpu.enqueue_dma source(%arg9 : memref<16384xf32, #tpu.memory_space<vmem>>) target(%dma_start3A_154 : memref<16384xf32, #tpu.memory_space<hbm>>) target_semaphore(%arg21 : memref<!tpu.dma_semaphore, #tpu.memory_space<semaphore_mem>>)
    %add3A_155 = arith.constant 128 : i32
    %add3A_156 = arith.addi %add3A_155, %add3A : i32
    %mul3A_157 = arith.constant 16384 : i32
    %mul3A_158 = arith.muli %add3A_156, %mul3A_157 : i32
    %dma_wait3A_159 = tpu.memref_slice %arg3[%mul3A_158] : memref<16777216xf32, #tpu.memory_space<hbm>> -> memref<16384xf32, #tpu.memory_space<hbm>>
    %dma_wait3A_160 = tpu.memref_slice %arg3[%mul3A_158] : memref<16777216xf32, #tpu.memory_space<hbm>> -> memref<16384xf32, #tpu.memory_space<hbm>>
    tpu.wait_dma2 semaphore(%arg20 : memref<!tpu.dma_semaphore, #tpu.memory_space<semaphore_mem>>) src(%arg8 : memref<16384xf32, #tpu.memory_space<vmem>>) dst(%dma_wait3A_160 : memref<16384xf32, #tpu.memory_space<hbm>>)
    %add3A_161 = arith.constant 320 : i32
    %add3A_162 = arith.addi %add3A_161, %add3A : i32
    %mul3A_163 = arith.constant 16384 : i32
    %mul3A_164 = arith.muli %add3A_162, %mul3A_163 : i32
    %dma_start3A_165 = tpu.memref_slice %arg2[%mul3A_164] : memref<16777216xf32, #tpu.memory_space<hbm>> -> memref<16384xf32, #tpu.memory_space<hbm>>
    %dma_start3A_166 = tpu.memref_slice %arg2[%mul3A_164] : memref<16777216xf32, #tpu.memory_space<hbm>> -> memref<16384xf32, #tpu.memory_space<hbm>>
    tpu.enqueue_dma source(%dma_start3A_166 : memref<16384xf32, #tpu.memory_space<hbm>>) target(%arg8 : memref<16384xf32, #tpu.memory_space<vmem>>) target_semaphore(%arg14 : memref<!tpu.dma_semaphore, #tpu.memory_space<semaphore_mem>>)
    %add3A_167 = arith.constant 192 : i32
    %add3A_168 = arith.addi %add3A_167, %add3A : i32
    %mul3A_169 = arith.constant 16384 : i32
    %mul3A_170 = arith.muli %add3A_168, %mul3A_169 : i32
    %dma_wait3A_171 = tpu.memref_slice %arg2[%mul3A_170] : memref<16777216xf32, #tpu.memory_space<hbm>> -> memref<16384xf32, #tpu.memory_space<hbm>>
    %dma_wait3A_172 = tpu.memref_slice %arg2[%mul3A_170] : memref<16777216xf32, #tpu.memory_space<hbm>> -> memref<16384xf32, #tpu.memory_space<hbm>>
    tpu.wait_dma2 semaphore(%arg10 : memref<!tpu.dma_semaphore, #tpu.memory_space<semaphore_mem>>) src(%dma_wait3A_172 : memref<16384xf32, #tpu.memory_space<hbm>>) dst(%arg4 : memref<16384xf32, #tpu.memory_space<vmem>>)
    %add3A_173 = arith.constant 192 : i32
    %add3A_174 = arith.addi %add3A_173, %add3A : i32
    %mul3A_175 = arith.constant 16384 : i32
    %mul3A_176 = arith.muli %add3A_174, %mul3A_175 : i32
    %dma_start3A_177 = tpu.memref_slice %arg3[%mul3A_176] : memref<16777216xf32, #tpu.memory_space<hbm>> -> memref<16384xf32, #tpu.memory_space<hbm>>
    %dma_start3A_178 = tpu.memref_slice %arg3[%mul3A_176] : memref<16777216xf32, #tpu.memory_space<hbm>> -> memref<16384xf32, #tpu.memory_space<hbm>>
    tpu.enqueue_dma source(%arg4 : memref<16384xf32, #tpu.memory_space<vmem>>) target(%dma_start3A_178 : memref<16384xf32, #tpu.memory_space<hbm>>) target_semaphore(%arg16 : memref<!tpu.dma_semaphore, #tpu.memory_space<semaphore_mem>>)
    %add3A_179 = arith.constant 160 : i32
    %add3A_180 = arith.addi %add3A_179, %add3A : i32
    %mul3A_181 = arith.constant 16384 : i32
    %mul3A_182 = arith.muli %add3A_180, %mul3A_181 : i32
    %dma_wait3A_183 = tpu.memref_slice %arg3[%mul3A_182] : memref<16777216xf32, #tpu.memory_space<hbm>> -> memref<16384xf32, #tpu.memory_space<hbm>>
    %dma_wait3A_184 = tpu.memref_slice %arg3[%mul3A_182] : memref<16777216xf32, #tpu.memory_space<hbm>> -> memref<16384xf32, #tpu.memory_space<hbm>>
    tpu.wait_dma2 semaphore(%arg21 : memref<!tpu.dma_semaphore, #tpu.memory_space<semaphore_mem>>) src(%arg9 : memref<16384xf32, #tpu.memory_space<vmem>>) dst(%dma_wait3A_184 : memref<16384xf32, #tpu.memory_space<hbm>>)
    %add3A_185 = arith.constant 352 : i32
    %add3A_186 = arith.addi %add3A_185, %add3A : i32
    %mul3A_187 = arith.constant 16384 : i32
    %mul3A_188 = arith.muli %add3A_186, %mul3A_187 : i32
    %dma_start3A_189 = tpu.memref_slice %arg2[%mul3A_188] : memref<16777216xf32, #tpu.memory_space<hbm>> -> memref<16384xf32, #tpu.memory_space<hbm>>
    %dma_start3A_190 = tpu.memref_slice %arg2[%mul3A_188] : memref<16777216xf32, #tpu.memory_space<hbm>> -> memref<16384xf32, #tpu.memory_space<hbm>>
    tpu.enqueue_dma source(%dma_start3A_190 : memref<16384xf32, #tpu.memory_space<hbm>>) target(%arg9 : memref<16384xf32, #tpu.memory_space<vmem>>) target_semaphore(%arg15 : memref<!tpu.dma_semaphore, #tpu.memory_space<semaphore_mem>>)
    %add3A_191 = arith.constant 224 : i32
    %add3A_192 = arith.addi %add3A_191, %add3A : i32
    %mul3A_193 = arith.constant 16384 : i32
    %mul3A_194 = arith.muli %add3A_192, %mul3A_193 : i32
    %dma_wait3A_195 = tpu.memref_slice %arg2[%mul3A_194] : memref<16777216xf32, #tpu.memory_space<hbm>> -> memref<16384xf32, #tpu.memory_space<hbm>>
    %dma_wait3A_196 = tpu.memref_slice %arg2[%mul3A_194] : memref<16777216xf32, #tpu.memory_space<hbm>> -> memref<16384xf32, #tpu.memory_space<hbm>>
    tpu.wait_dma2 semaphore(%arg11 : memref<!tpu.dma_semaphore, #tpu.memory_space<semaphore_mem>>) src(%dma_wait3A_196 : memref<16384xf32, #tpu.memory_space<hbm>>) dst(%arg5 : memref<16384xf32, #tpu.memory_space<vmem>>)
    %add3A_197 = arith.constant 224 : i32
    %add3A_198 = arith.addi %add3A_197, %add3A : i32
    %mul3A_199 = arith.constant 16384 : i32
    %mul3A_200 = arith.muli %add3A_198, %mul3A_199 : i32
    %dma_start3A_201 = tpu.memref_slice %arg3[%mul3A_200] : memref<16777216xf32, #tpu.memory_space<hbm>> -> memref<16384xf32, #tpu.memory_space<hbm>>
    %dma_start3A_202 = tpu.memref_slice %arg3[%mul3A_200] : memref<16777216xf32, #tpu.memory_space<hbm>> -> memref<16384xf32, #tpu.memory_space<hbm>>
    tpu.enqueue_dma source(%arg5 : memref<16384xf32, #tpu.memory_space<vmem>>) target(%dma_start3A_202 : memref<16384xf32, #tpu.memory_space<hbm>>) target_semaphore(%arg17 : memref<!tpu.dma_semaphore, #tpu.memory_space<semaphore_mem>>)
    %add3A_203 = arith.constant 192 : i32
    %add3A_204 = arith.addi %add3A_203, %add3A : i32
    %mul3A_205 = arith.constant 16384 : i32
    %mul3A_206 = arith.muli %add3A_204, %mul3A_205 : i32
    %dma_wait3A_207 = tpu.memref_slice %arg3[%mul3A_206] : memref<16777216xf32, #tpu.memory_space<hbm>> -> memref<16384xf32, #tpu.memory_space<hbm>>
    %dma_wait3A_208 = tpu.memref_slice %arg3[%mul3A_206] : memref<16777216xf32, #tpu.memory_space<hbm>> -> memref<16384xf32, #tpu.memory_space<hbm>>
    tpu.wait_dma2 semaphore(%arg16 : memref<!tpu.dma_semaphore, #tpu.memory_space<semaphore_mem>>) src(%arg4 : memref<16384xf32, #tpu.memory_space<vmem>>) dst(%dma_wait3A_208 : memref<16384xf32, #tpu.memory_space<hbm>>)
    %add3A_209 = arith.constant 384 : i32
    %add3A_210 = arith.addi %add3A_209, %add3A : i32
    %mul3A_211 = arith.constant 16384 : i32
    %mul3A_212 = arith.muli %add3A_210, %mul3A_211 : i32
    %dma_start3A_213 = tpu.memref_slice %arg2[%mul3A_212] : memref<16777216xf32, #tpu.memory_space<hbm>> -> memref<16384xf32, #tpu.memory_space<hbm>>
    %dma_start3A_214 = tpu.memref_slice %arg2[%mul3A_212] : memref<16777216xf32, #tpu.memory_space<hbm>> -> memref<16384xf32, #tpu.memory_space<hbm>>
    tpu.enqueue_dma source(%dma_start3A_214 : memref<16384xf32, #tpu.memory_space<hbm>>) target(%arg4 : memref<16384xf32, #tpu.memory_space<vmem>>) target_semaphore(%arg10 : memref<!tpu.dma_semaphore, #tpu.memory_space<semaphore_mem>>)
    %add3A_215 = arith.constant 256 : i32
    %add3A_216 = arith.addi %add3A_215, %add3A : i32
    %mul3A_217 = arith.constant 16384 : i32
    %mul3A_218 = arith.muli %add3A_216, %mul3A_217 : i32
    %dma_wait3A_219 = tpu.memref_slice %arg2[%mul3A_218] : memref<16777216xf32, #tpu.memory_space<hbm>> -> memref<16384xf32, #tpu.memory_space<hbm>>
    %dma_wait3A_220 = tpu.memref_slice %arg2[%mul3A_218] : memref<16777216xf32, #tpu.memory_space<hbm>> -> memref<16384xf32, #tpu.memory_space<hbm>>
    tpu.wait_dma2 semaphore(%arg12 : memref<!tpu.dma_semaphore, #tpu.memory_space<semaphore_mem>>) src(%dma_wait3A_220 : memref<16384xf32, #tpu.memory_space<hbm>>) dst(%arg6 : memref<16384xf32, #tpu.memory_space<vmem>>)
    %add3A_221 = arith.constant 256 : i32
    %add3A_222 = arith.addi %add3A_221, %add3A : i32
    %mul3A_223 = arith.constant 16384 : i32
    %mul3A_224 = arith.muli %add3A_222, %mul3A_223 : i32
    %dma_start3A_225 = tpu.memref_slice %arg3[%mul3A_224] : memref<16777216xf32, #tpu.memory_space<hbm>> -> memref<16384xf32, #tpu.memory_space<hbm>>
    %dma_start3A_226 = tpu.memref_slice %arg3[%mul3A_224] : memref<16777216xf32, #tpu.memory_space<hbm>> -> memref<16384xf32, #tpu.memory_space<hbm>>
    tpu.enqueue_dma source(%arg6 : memref<16384xf32, #tpu.memory_space<vmem>>) target(%dma_start3A_226 : memref<16384xf32, #tpu.memory_space<hbm>>) target_semaphore(%arg18 : memref<!tpu.dma_semaphore, #tpu.memory_space<semaphore_mem>>)
    %add3A_227 = arith.constant 224 : i32
    %add3A_228 = arith.addi %add3A_227, %add3A : i32
    %mul3A_229 = arith.constant 16384 : i32
    %mul3A_230 = arith.muli %add3A_228, %mul3A_229 : i32
    %dma_wait3A_231 = tpu.memref_slice %arg3[%mul3A_230] : memref<16777216xf32, #tpu.memory_space<hbm>> -> memref<16384xf32, #tpu.memory_space<hbm>>
    %dma_wait3A_232 = tpu.memref_slice %arg3[%mul3A_230] : memref<16777216xf32, #tpu.memory_space<hbm>> -> memref<16384xf32, #tpu.memory_space<hbm>>
    tpu.wait_dma2 semaphore(%arg17 : memref<!tpu.dma_semaphore, #tpu.memory_space<semaphore_mem>>) src(%arg5 : memref<16384xf32, #tpu.memory_space<vmem>>) dst(%dma_wait3A_232 : memref<16384xf32, #tpu.memory_space<hbm>>)
    %add3A_233 = arith.constant 416 : i32
    %add3A_234 = arith.addi %add3A_233, %add3A : i32
    %mul3A_235 = arith.constant 16384 : i32
    %mul3A_236 = arith.muli %add3A_234, %mul3A_235 : i32
    %dma_start3A_237 = tpu.memref_slice %arg2[%mul3A_236] : memref<16777216xf32, #tpu.memory_space<hbm>> -> memref<16384xf32, #tpu.memory_space<hbm>>
    %dma_start3A_238 = tpu.memref_slice %arg2[%mul3A_236] : memref<16777216xf32, #tpu.memory_space<hbm>> -> memref<16384xf32, #tpu.memory_space<hbm>>
    tpu.enqueue_dma source(%dma_start3A_238 : memref<16384xf32, #tpu.memory_space<hbm>>) target(%arg5 : memref<16384xf32, #tpu.memory_space<vmem>>) target_semaphore(%arg11 : memref<!tpu.dma_semaphore, #tpu.memory_space<semaphore_mem>>)
    %add3A_239 = arith.constant 288 : i32
    %add3A_240 = arith.addi %add3A_239, %add3A : i32
    %mul3A_241 = arith.constant 16384 : i32
    %mul3A_242 = arith.muli %add3A_240, %mul3A_241 : i32
    %dma_wait3A_243 = tpu.memref_slice %arg2[%mul3A_242] : memref<16777216xf32, #tpu.memory_space<hbm>> -> memref<16384xf32, #tpu.memory_space<hbm>>
    %dma_wait3A_244 = tpu.memref_slice %arg2[%mul3A_242] : memref<16777216xf32, #tpu.memory_space<hbm>> -> memref<16384xf32, #tpu.memory_space<hbm>>
    tpu.wait_dma2 semaphore(%arg13 : memref<!tpu.dma_semaphore, #tpu.memory_space<semaphore_mem>>) src(%dma_wait3A_244 : memref<16384xf32, #tpu.memory_space<hbm>>) dst(%arg7 : memref<16384xf32, #tpu.memory_space<vmem>>)
    %add3A_245 = arith.constant 288 : i32
    %add3A_246 = arith.addi %add3A_245, %add3A : i32
    %mul3A_247 = arith.constant 16384 : i32
    %mul3A_248 = arith.muli %add3A_246, %mul3A_247 : i32
    %dma_start3A_249 = tpu.memref_slice %arg3[%mul3A_248] : memref<16777216xf32, #tpu.memory_space<hbm>> -> memref<16384xf32, #tpu.memory_space<hbm>>
    %dma_start3A_250 = tpu.memref_slice %arg3[%mul3A_248] : memref<16777216xf32, #tpu.memory_space<hbm>> -> memref<16384xf32, #tpu.memory_space<hbm>>
    tpu.enqueue_dma source(%arg7 : memref<16384xf32, #tpu.memory_space<vmem>>) target(%dma_start3A_250 : memref<16384xf32, #tpu.memory_space<hbm>>) target_semaphore(%arg19 : memref<!tpu.dma_semaphore, #tpu.memory_space<semaphore_mem>>)
    %add3A_251 = arith.constant 256 : i32
    %add3A_252 = arith.addi %add3A_251, %add3A : i32
    %mul3A_253 = arith.constant 16384 : i32
    %mul3A_254 = arith.muli %add3A_252, %mul3A_253 : i32
    %dma_wait3A_255 = tpu.memref_slice %arg3[%mul3A_254] : memref<16777216xf32, #tpu.memory_space<hbm>> -> memref<16384xf32, #tpu.memory_space<hbm>>
    %dma_wait3A_256 = tpu.memref_slice %arg3[%mul3A_254] : memref<16777216xf32, #tpu.memory_space<hbm>> -> memref<16384xf32, #tpu.memory_space<hbm>>
    tpu.wait_dma2 semaphore(%arg18 : memref<!tpu.dma_semaphore, #tpu.memory_space<semaphore_mem>>) src(%arg6 : memref<16384xf32, #tpu.memory_space<vmem>>) dst(%dma_wait3A_256 : memref<16384xf32, #tpu.memory_space<hbm>>)
    %add3A_257 = arith.constant 448 : i32
    %add3A_258 = arith.addi %add3A_257, %add3A : i32
    %mul3A_259 = arith.constant 16384 : i32
    %mul3A_260 = arith.muli %add3A_258, %mul3A_259 : i32
    %dma_start3A_261 = tpu.memref_slice %arg2[%mul3A_260] : memref<16777216xf32, #tpu.memory_space<hbm>> -> memref<16384xf32, #tpu.memory_space<hbm>>
    %dma_start3A_262 = tpu.memref_slice %arg2[%mul3A_260] : memref<16777216xf32, #tpu.memory_space<hbm>> -> memref<16384xf32, #tpu.memory_space<hbm>>
    tpu.enqueue_dma source(%dma_start3A_262 : memref<16384xf32, #tpu.memory_space<hbm>>) target(%arg6 : memref<16384xf32, #tpu.memory_space<vmem>>) target_semaphore(%arg12 : memref<!tpu.dma_semaphore, #tpu.memory_space<semaphore_mem>>)
    %add3A_263 = arith.constant 320 : i32
    %add3A_264 = arith.addi %add3A_263, %add3A : i32
    %mul3A_265 = arith.constant 16384 : i32
    %mul3A_266 = arith.muli %add3A_264, %mul3A_265 : i32
    %dma_wait3A_267 = tpu.memref_slice %arg2[%mul3A_266] : memref<16777216xf32, #tpu.memory_space<hbm>> -> memref<16384xf32, #tpu.memory_space<hbm>>
    %dma_wait3A_268 = tpu.memref_slice %arg2[%mul3A_266] : memref<16777216xf32, #tpu.memory_space<hbm>> -> memref<16384xf32, #tpu.memory_space<hbm>>
    tpu.wait_dma2 semaphore(%arg14 : memref<!tpu.dma_semaphore, #tpu.memory_space<semaphore_mem>>) src(%dma_wait3A_268 : memref<16384xf32, #tpu.memory_space<hbm>>) dst(%arg8 : memref<16384xf32, #tpu.memory_space<vmem>>)
    %add3A_269 = arith.constant 320 : i32
    %add3A_270 = arith.addi %add3A_269, %add3A : i32
    %mul3A_271 = arith.constant 16384 : i32
    %mul3A_272 = arith.muli %add3A_270, %mul3A_271 : i32
    %dma_start3A_273 = tpu.memref_slice %arg3[%mul3A_272] : memref<16777216xf32, #tpu.memory_space<hbm>> -> memref<16384xf32, #tpu.memory_space<hbm>>
    %dma_start3A_274 = tpu.memref_slice %arg3[%mul3A_272] : memref<16777216xf32, #tpu.memory_space<hbm>> -> memref<16384xf32, #tpu.memory_space<hbm>>
    tpu.enqueue_dma source(%arg8 : memref<16384xf32, #tpu.memory_space<vmem>>) target(%dma_start3A_274 : memref<16384xf32, #tpu.memory_space<hbm>>) target_semaphore(%arg20 : memref<!tpu.dma_semaphore, #tpu.memory_space<semaphore_mem>>)
    %add3A_275 = arith.constant 288 : i32
    %add3A_276 = arith.addi %add3A_275, %add3A : i32
    %mul3A_277 = arith.constant 16384 : i32
    %mul3A_278 = arith.muli %add3A_276, %mul3A_277 : i32
    %dma_wait3A_279 = tpu.memref_slice %arg3[%mul3A_278] : memref<16777216xf32, #tpu.memory_space<hbm>> -> memref<16384xf32, #tpu.memory_space<hbm>>
    %dma_wait3A_280 = tpu.memref_slice %arg3[%mul3A_278] : memref<16777216xf32, #tpu.memory_space<hbm>> -> memref<16384xf32, #tpu.memory_space<hbm>>
    tpu.wait_dma2 semaphore(%arg19 : memref<!tpu.dma_semaphore, #tpu.memory_space<semaphore_mem>>) src(%arg7 : memref<16384xf32, #tpu.memory_space<vmem>>) dst(%dma_wait3A_280 : memref<16384xf32, #tpu.memory_space<hbm>>)
    %add3A_281 = arith.constant 480 : i32
    %add3A_282 = arith.addi %add3A_281, %add3A : i32
    %mul3A_283 = arith.constant 16384 : i32
    %mul3A_284 = arith.muli %add3A_282, %mul3A_283 : i32
    %dma_start3A_285 = tpu.memref_slice %arg2[%mul3A_284] : memref<16777216xf32, #tpu.memory_space<hbm>> -> memref<16384xf32, #tpu.memory_space<hbm>>
    %dma_start3A_286 = tpu.memref_slice %arg2[%mul3A_284] : memref<16777216xf32, #tpu.memory_space<hbm>> -> memref<16384xf32, #tpu.memory_space<hbm>>
    tpu.enqueue_dma source(%dma_start3A_286 : memref<16384xf32, #tpu.memory_space<hbm>>) target(%arg7 : memref<16384xf32, #tpu.memory_space<vmem>>) target_semaphore(%arg13 : memref<!tpu.dma_semaphore, #tpu.memory_space<semaphore_mem>>)
    %add3A_287 = arith.constant 352 : i32
    %add3A_288 = arith.addi %add3A_287, %add3A : i32
    %mul3A_289 = arith.constant 16384 : i32
    %mul3A_290 = arith.muli %add3A_288, %mul3A_289 : i32
    %dma_wait3A_291 = tpu.memref_slice %arg2[%mul3A_290] : memref<16777216xf32, #tpu.memory_space<hbm>> -> memref<16384xf32, #tpu.memory_space<hbm>>
    %dma_wait3A_292 = tpu.memref_slice %arg2[%mul3A_290] : memref<16777216xf32, #tpu.memory_space<hbm>> -> memref<16384xf32, #tpu.memory_space<hbm>>
    tpu.wait_dma2 semaphore(%arg15 : memref<!tpu.dma_semaphore, #tpu.memory_space<semaphore_mem>>) src(%dma_wait3A_292 : memref<16384xf32, #tpu.memory_space<hbm>>) dst(%arg9 : memref<16384xf32, #tpu.memory_space<vmem>>)
    %add3A_293 = arith.constant 352 : i32
    %add3A_294 = arith.addi %add3A_293, %add3A : i32
    %mul3A_295 = arith.constant 16384 : i32
    %mul3A_296 = arith.muli %add3A_294, %mul3A_295 : i32
    %dma_start3A_297 = tpu.memref_slice %arg3[%mul3A_296] : memref<16777216xf32, #tpu.memory_space<hbm>> -> memref<16384xf32, #tpu.memory_space<hbm>>
    %dma_start3A_298 = tpu.memref_slice %arg3[%mul3A_296] : memref<16777216xf32, #tpu.memory_space<hbm>> -> memref<16384xf32, #tpu.memory_space<hbm>>
    tpu.enqueue_dma source(%arg9 : memref<16384xf32, #tpu.memory_space<vmem>>) target(%dma_start3A_298 : memref<16384xf32, #tpu.memory_space<hbm>>) target_semaphore(%arg21 : memref<!tpu.dma_semaphore, #tpu.memory_space<semaphore_mem>>)
    %add3A_299 = arith.constant 320 : i32
    %add3A_300 = arith.addi %add3A_299, %add3A : i32
    %mul3A_301 = arith.constant 16384 : i32
    %mul3A_302 = arith.muli %add3A_300, %mul3A_301 : i32
    %dma_wait3A_303 = tpu.memref_slice %arg3[%mul3A_302] : memref<16777216xf32, #tpu.memory_space<hbm>> -> memref<16384xf32, #tpu.memory_space<hbm>>
    %dma_wait3A_304 = tpu.memref_slice %arg3[%mul3A_302] : memref<16777216xf32, #tpu.memory_space<hbm>> -> memref<16384xf32, #tpu.memory_space<hbm>>
    tpu.wait_dma2 semaphore(%arg20 : memref<!tpu.dma_semaphore, #tpu.memory_space<semaphore_mem>>) src(%arg8 : memref<16384xf32, #tpu.memory_space<vmem>>) dst(%dma_wait3A_304 : memref<16384xf32, #tpu.memory_space<hbm>>)
    %add3A_305 = arith.constant 512 : i32
    %add3A_306 = arith.addi %add3A_305, %add3A : i32
    %mul3A_307 = arith.constant 16384 : i32
    %mul3A_308 = arith.muli %add3A_306, %mul3A_307 : i32
    %dma_start3A_309 = tpu.memref_slice %arg2[%mul3A_308] : memref<16777216xf32, #tpu.memory_space<hbm>> -> memref<16384xf32, #tpu.memory_space<hbm>>
    %dma_start3A_310 = tpu.memref_slice %arg2[%mul3A_308] : memref<16777216xf32, #tpu.memory_space<hbm>> -> memref<16384xf32, #tpu.memory_space<hbm>>
    tpu.enqueue_dma source(%dma_start3A_310 : memref<16384xf32, #tpu.memory_space<hbm>>) target(%arg8 : memref<16384xf32, #tpu.memory_space<vmem>>) target_semaphore(%arg14 : memref<!tpu.dma_semaphore, #tpu.memory_space<semaphore_mem>>)
    %add3A_311 = arith.constant 384 : i32
    %add3A_312 = arith.addi %add3A_311, %add3A : i32
    %mul3A_313 = arith.constant 16384 : i32
    %mul3A_314 = arith.muli %add3A_312, %mul3A_313 : i32
    %dma_wait3A_315 = tpu.memref_slice %arg2[%mul3A_314] : memref<16777216xf32, #tpu.memory_space<hbm>> -> memref<16384xf32, #tpu.memory_space<hbm>>
    %dma_wait3A_316 = tpu.memref_slice %arg2[%mul3A_314] : memref<16777216xf32, #tpu.memory_space<hbm>> -> memref<16384xf32, #tpu.memory_space<hbm>>
    tpu.wait_dma2 semaphore(%arg10 : memref<!tpu.dma_semaphore, #tpu.memory_space<semaphore_mem>>) src(%dma_wait3A_316 : memref<16384xf32, #tpu.memory_space<hbm>>) dst(%arg4 : memref<16384xf32, #tpu.memory_space<vmem>>)
    %add3A_317 = arith.constant 384 : i32
    %add3A_318 = arith.addi %add3A_317, %add3A : i32
    %mul3A_319 = arith.constant 16384 : i32
    %mul3A_320 = arith.muli %add3A_318, %mul3A_319 : i32
    %dma_start3A_321 = tpu.memref_slice %arg3[%mul3A_320] : memref<16777216xf32, #tpu.memory_space<hbm>> -> memref<16384xf32, #tpu.memory_space<hbm>>
    %dma_start3A_322 = tpu.memref_slice %arg3[%mul3A_320] : memref<16777216xf32, #tpu.memory_space<hbm>> -> memref<16384xf32, #tpu.memory_space<hbm>>
    tpu.enqueue_dma source(%arg4 : memref<16384xf32, #tpu.memory_space<vmem>>) target(%dma_start3A_322 : memref<16384xf32, #tpu.memory_space<hbm>>) target_semaphore(%arg16 : memref<!tpu.dma_semaphore, #tpu.memory_space<semaphore_mem>>)
    %add3A_323 = arith.constant 352 : i32
    %add3A_324 = arith.addi %add3A_323, %add3A : i32
    %mul3A_325 = arith.constant 16384 : i32
    %mul3A_326 = arith.muli %add3A_324, %mul3A_325 : i32
    %dma_wait3A_327 = tpu.memref_slice %arg3[%mul3A_326] : memref<16777216xf32, #tpu.memory_space<hbm>> -> memref<16384xf32, #tpu.memory_space<hbm>>
    %dma_wait3A_328 = tpu.memref_slice %arg3[%mul3A_326] : memref<16777216xf32, #tpu.memory_space<hbm>> -> memref<16384xf32, #tpu.memory_space<hbm>>
    tpu.wait_dma2 semaphore(%arg21 : memref<!tpu.dma_semaphore, #tpu.memory_space<semaphore_mem>>) src(%arg9 : memref<16384xf32, #tpu.memory_space<vmem>>) dst(%dma_wait3A_328 : memref<16384xf32, #tpu.memory_space<hbm>>)
    %add3A_329 = arith.constant 544 : i32
    %add3A_330 = arith.addi %add3A_329, %add3A : i32
    %mul3A_331 = arith.constant 16384 : i32
    %mul3A_332 = arith.muli %add3A_330, %mul3A_331 : i32
    %dma_start3A_333 = tpu.memref_slice %arg2[%mul3A_332] : memref<16777216xf32, #tpu.memory_space<hbm>> -> memref<16384xf32, #tpu.memory_space<hbm>>
    %dma_start3A_334 = tpu.memref_slice %arg2[%mul3A_332] : memref<16777216xf32, #tpu.memory_space<hbm>> -> memref<16384xf32, #tpu.memory_space<hbm>>
    tpu.enqueue_dma source(%dma_start3A_334 : memref<16384xf32, #tpu.memory_space<hbm>>) target(%arg9 : memref<16384xf32, #tpu.memory_space<vmem>>) target_semaphore(%arg15 : memref<!tpu.dma_semaphore, #tpu.memory_space<semaphore_mem>>)
    %add3A_335 = arith.constant 416 : i32
    %add3A_336 = arith.addi %add3A_335, %add3A : i32
    %mul3A_337 = arith.constant 16384 : i32
    %mul3A_338 = arith.muli %add3A_336, %mul3A_337 : i32
    %dma_wait3A_339 = tpu.memref_slice %arg2[%mul3A_338] : memref<16777216xf32, #tpu.memory_space<hbm>> -> memref<16384xf32, #tpu.memory_space<hbm>>
    %dma_wait3A_340 = tpu.memref_slice %arg2[%mul3A_338] : memref<16777216xf32, #tpu.memory_space<hbm>> -> memref<16384xf32, #tpu.memory_space<hbm>>
    tpu.wait_dma2 semaphore(%arg11 : memref<!tpu.dma_semaphore, #tpu.memory_space<semaphore_mem>>) src(%dma_wait3A_340 : memref<16384xf32, #tpu.memory_space<hbm>>) dst(%arg5 : memref<16384xf32, #tpu.memory_space<vmem>>)
    %add3A_341 = arith.constant 416 : i32
    %add3A_342 = arith.addi %add3A_341, %add3A : i32
    %mul3A_343 = arith.constant 16384 : i32
    %mul3A_344 = arith.muli %add3A_342, %mul3A_343 : i32
    %dma_start3A_345 = tpu.memref_slice %arg3[%mul3A_344] : memref<16777216xf32, #tpu.memory_space<hbm>> -> memref<16384xf32, #tpu.memory_space<hbm>>
    %dma_start3A_346 = tpu.memref_slice %arg3[%mul3A_344] : memref<16777216xf32, #tpu.memory_space<hbm>> -> memref<16384xf32, #tpu.memory_space<hbm>>
    tpu.enqueue_dma source(%arg5 : memref<16384xf32, #tpu.memory_space<vmem>>) target(%dma_start3A_346 : memref<16384xf32, #tpu.memory_space<hbm>>) target_semaphore(%arg17 : memref<!tpu.dma_semaphore, #tpu.memory_space<semaphore_mem>>)
    %add3A_347 = arith.constant 384 : i32
    %add3A_348 = arith.addi %add3A_347, %add3A : i32
    %mul3A_349 = arith.constant 16384 : i32
    %mul3A_350 = arith.muli %add3A_348, %mul3A_349 : i32
    %dma_wait3A_351 = tpu.memref_slice %arg3[%mul3A_350] : memref<16777216xf32, #tpu.memory_space<hbm>> -> memref<16384xf32, #tpu.memory_space<hbm>>
    %dma_wait3A_352 = tpu.memref_slice %arg3[%mul3A_350] : memref<16777216xf32, #tpu.memory_space<hbm>> -> memref<16384xf32, #tpu.memory_space<hbm>>
    tpu.wait_dma2 semaphore(%arg16 : memref<!tpu.dma_semaphore, #tpu.memory_space<semaphore_mem>>) src(%arg4 : memref<16384xf32, #tpu.memory_space<vmem>>) dst(%dma_wait3A_352 : memref<16384xf32, #tpu.memory_space<hbm>>)
    %add3A_353 = arith.constant 576 : i32
    %add3A_354 = arith.addi %add3A_353, %add3A : i32
    %mul3A_355 = arith.constant 16384 : i32
    %mul3A_356 = arith.muli %add3A_354, %mul3A_355 : i32
    %dma_start3A_357 = tpu.memref_slice %arg2[%mul3A_356] : memref<16777216xf32, #tpu.memory_space<hbm>> -> memref<16384xf32, #tpu.memory_space<hbm>>
    %dma_start3A_358 = tpu.memref_slice %arg2[%mul3A_356] : memref<16777216xf32, #tpu.memory_space<hbm>> -> memref<16384xf32, #tpu.memory_space<hbm>>
    tpu.enqueue_dma source(%dma_start3A_358 : memref<16384xf32, #tpu.memory_space<hbm>>) target(%arg4 : memref<16384xf32, #tpu.memory_space<vmem>>) target_semaphore(%arg10 : memref<!tpu.dma_semaphore, #tpu.memory_space<semaphore_mem>>)
    %add3A_359 = arith.constant 448 : i32
    %add3A_360 = arith.addi %add3A_359, %add3A : i32
    %mul3A_361 = arith.constant 16384 : i32
    %mul3A_362 = arith.muli %add3A_360, %mul3A_361 : i32
    %dma_wait3A_363 = tpu.memref_slice %arg2[%mul3A_362] : memref<16777216xf32, #tpu.memory_space<hbm>> -> memref<16384xf32, #tpu.memory_space<hbm>>
    %dma_wait3A_364 = tpu.memref_slice %arg2[%mul3A_362] : memref<16777216xf32, #tpu.memory_space<hbm>> -> memref<16384xf32, #tpu.memory_space<hbm>>
    tpu.wait_dma2 semaphore(%arg12 : memref<!tpu.dma_semaphore, #tpu.memory_space<semaphore_mem>>) src(%dma_wait3A_364 : memref<16384xf32, #tpu.memory_space<hbm>>) dst(%arg6 : memref<16384xf32, #tpu.memory_space<vmem>>)
    %add3A_365 = arith.constant 448 : i32
    %add3A_366 = arith.addi %add3A_365, %add3A : i32
    %mul3A_367 = arith.constant 16384 : i32
    %mul3A_368 = arith.muli %add3A_366, %mul3A_367 : i32
    %dma_start3A_369 = tpu.memref_slice %arg3[%mul3A_368] : memref<16777216xf32, #tpu.memory_space<hbm>> -> memref<16384xf32, #tpu.memory_space<hbm>>
    %dma_start3A_370 = tpu.memref_slice %arg3[%mul3A_368] : memref<16777216xf32, #tpu.memory_space<hbm>> -> memref<16384xf32, #tpu.memory_space<hbm>>
    tpu.enqueue_dma source(%arg6 : memref<16384xf32, #tpu.memory_space<vmem>>) target(%dma_start3A_370 : memref<16384xf32, #tpu.memory_space<hbm>>) target_semaphore(%arg18 : memref<!tpu.dma_semaphore, #tpu.memory_space<semaphore_mem>>)
    %add3A_371 = arith.constant 416 : i32
    %add3A_372 = arith.addi %add3A_371, %add3A : i32
    %mul3A_373 = arith.constant 16384 : i32
    %mul3A_374 = arith.muli %add3A_372, %mul3A_373 : i32
    %dma_wait3A_375 = tpu.memref_slice %arg3[%mul3A_374] : memref<16777216xf32, #tpu.memory_space<hbm>> -> memref<16384xf32, #tpu.memory_space<hbm>>
    %dma_wait3A_376 = tpu.memref_slice %arg3[%mul3A_374] : memref<16777216xf32, #tpu.memory_space<hbm>> -> memref<16384xf32, #tpu.memory_space<hbm>>
    tpu.wait_dma2 semaphore(%arg17 : memref<!tpu.dma_semaphore, #tpu.memory_space<semaphore_mem>>) src(%arg5 : memref<16384xf32, #tpu.memory_space<vmem>>) dst(%dma_wait3A_376 : memref<16384xf32, #tpu.memory_space<hbm>>)
    %add3A_377 = arith.constant 608 : i32
    %add3A_378 = arith.addi %add3A_377, %add3A : i32
    %mul3A_379 = arith.constant 16384 : i32
    %mul3A_380 = arith.muli %add3A_378, %mul3A_379 : i32
    %dma_start3A_381 = tpu.memref_slice %arg2[%mul3A_380] : memref<16777216xf32, #tpu.memory_space<hbm>> -> memref<16384xf32, #tpu.memory_space<hbm>>
    %dma_start3A_382 = tpu.memref_slice %arg2[%mul3A_380] : memref<16777216xf32, #tpu.memory_space<hbm>> -> memref<16384xf32, #tpu.memory_space<hbm>>
    tpu.enqueue_dma source(%dma_start3A_382 : memref<16384xf32, #tpu.memory_space<hbm>>) target(%arg5 : memref<16384xf32, #tpu.memory_space<vmem>>) target_semaphore(%arg11 : memref<!tpu.dma_semaphore, #tpu.memory_space<semaphore_mem>>)
    %add3A_383 = arith.constant 480 : i32
    %add3A_384 = arith.addi %add3A_383, %add3A : i32
    %mul3A_385 = arith.constant 16384 : i32
    %mul3A_386 = arith.muli %add3A_384, %mul3A_385 : i32
    %dma_wait3A_387 = tpu.memref_slice %arg2[%mul3A_386] : memref<16777216xf32, #tpu.memory_space<hbm>> -> memref<16384xf32, #tpu.memory_space<hbm>>
    %dma_wait3A_388 = tpu.memref_slice %arg2[%mul3A_386] : memref<16777216xf32, #tpu.memory_space<hbm>> -> memref<16384xf32, #tpu.memory_space<hbm>>
    tpu.wait_dma2 semaphore(%arg13 : memref<!tpu.dma_semaphore, #tpu.memory_space<semaphore_mem>>) src(%dma_wait3A_388 : memref<16384xf32, #tpu.memory_space<hbm>>) dst(%arg7 : memref<16384xf32, #tpu.memory_space<vmem>>)
    %add3A_389 = arith.constant 480 : i32
    %add3A_390 = arith.addi %add3A_389, %add3A : i32
    %mul3A_391 = arith.constant 16384 : i32
    %mul3A_392 = arith.muli %add3A_390, %mul3A_391 : i32
    %dma_start3A_393 = tpu.memref_slice %arg3[%mul3A_392] : memref<16777216xf32, #tpu.memory_space<hbm>> -> memref<16384xf32, #tpu.memory_space<hbm>>
    %dma_start3A_394 = tpu.memref_slice %arg3[%mul3A_392] : memref<16777216xf32, #tpu.memory_space<hbm>> -> memref<16384xf32, #tpu.memory_space<hbm>>
    tpu.enqueue_dma source(%arg7 : memref<16384xf32, #tpu.memory_space<vmem>>) target(%dma_start3A_394 : memref<16384xf32, #tpu.memory_space<hbm>>) target_semaphore(%arg19 : memref<!tpu.dma_semaphore, #tpu.memory_space<semaphore_mem>>)
    %add3A_395 = arith.constant 448 : i32
    %add3A_396 = arith.addi %add3A_395, %add3A : i32
    %mul3A_397 = arith.constant 16384 : i32
    %mul3A_398 = arith.muli %add3A_396, %mul3A_397 : i32
    %dma_wait3A_399 = tpu.memref_slice %arg3[%mul3A_398] : memref<16777216xf32, #tpu.memory_space<hbm>> -> memref<16384xf32, #tpu.memory_space<hbm>>
    %dma_wait3A_400 = tpu.memref_slice %arg3[%mul3A_398] : memref<16777216xf32, #tpu.memory_space<hbm>> -> memref<16384xf32, #tpu.memory_space<hbm>>
    tpu.wait_dma2 semaphore(%arg18 : memref<!tpu.dma_semaphore, #tpu.memory_space<semaphore_mem>>) src(%arg6 : memref<16384xf32, #tpu.memory_space<vmem>>) dst(%dma_wait3A_400 : memref<16384xf32, #tpu.memory_space<hbm>>)
    %add3A_401 = arith.constant 640 : i32
    %add3A_402 = arith.addi %add3A_401, %add3A : i32
    %mul3A_403 = arith.constant 16384 : i32
    %mul3A_404 = arith.muli %add3A_402, %mul3A_403 : i32
    %dma_start3A_405 = tpu.memref_slice %arg2[%mul3A_404] : memref<16777216xf32, #tpu.memory_space<hbm>> -> memref<16384xf32, #tpu.memory_space<hbm>>
    %dma_start3A_406 = tpu.memref_slice %arg2[%mul3A_404] : memref<16777216xf32, #tpu.memory_space<hbm>> -> memref<16384xf32, #tpu.memory_space<hbm>>
    tpu.enqueue_dma source(%dma_start3A_406 : memref<16384xf32, #tpu.memory_space<hbm>>) target(%arg6 : memref<16384xf32, #tpu.memory_space<vmem>>) target_semaphore(%arg12 : memref<!tpu.dma_semaphore, #tpu.memory_space<semaphore_mem>>)
    %add3A_407 = arith.constant 512 : i32
    %add3A_408 = arith.addi %add3A_407, %add3A : i32
    %mul3A_409 = arith.constant 16384 : i32
    %mul3A_410 = arith.muli %add3A_408, %mul3A_409 : i32
    %dma_wait3A_411 = tpu.memref_slice %arg2[%mul3A_410] : memref<16777216xf32, #tpu.memory_space<hbm>> -> memref<16384xf32, #tpu.memory_space<hbm>>
    %dma_wait3A_412 = tpu.memref_slice %arg2[%mul3A_410] : memref<16777216xf32, #tpu.memory_space<hbm>> -> memref<16384xf32, #tpu.memory_space<hbm>>
    tpu.wait_dma2 semaphore(%arg14 : memref<!tpu.dma_semaphore, #tpu.memory_space<semaphore_mem>>) src(%dma_wait3A_412 : memref<16384xf32, #tpu.memory_space<hbm>>) dst(%arg8 : memref<16384xf32, #tpu.memory_space<vmem>>)
    %add3A_413 = arith.constant 512 : i32
    %add3A_414 = arith.addi %add3A_413, %add3A : i32
    %mul3A_415 = arith.constant 16384 : i32
    %mul3A_416 = arith.muli %add3A_414, %mul3A_415 : i32
    %dma_start3A_417 = tpu.memref_slice %arg3[%mul3A_416] : memref<16777216xf32, #tpu.memory_space<hbm>> -> memref<16384xf32, #tpu.memory_space<hbm>>
    %dma_start3A_418 = tpu.memref_slice %arg3[%mul3A_416] : memref<16777216xf32, #tpu.memory_space<hbm>> -> memref<16384xf32, #tpu.memory_space<hbm>>
    tpu.enqueue_dma source(%arg8 : memref<16384xf32, #tpu.memory_space<vmem>>) target(%dma_start3A_418 : memref<16384xf32, #tpu.memory_space<hbm>>) target_semaphore(%arg20 : memref<!tpu.dma_semaphore, #tpu.memory_space<semaphore_mem>>)
    %add3A_419 = arith.constant 480 : i32
    %add3A_420 = arith.addi %add3A_419, %add3A : i32
    %mul3A_421 = arith.constant 16384 : i32
    %mul3A_422 = arith.muli %add3A_420, %mul3A_421 : i32
    %dma_wait3A_423 = tpu.memref_slice %arg3[%mul3A_422] : memref<16777216xf32, #tpu.memory_space<hbm>> -> memref<16384xf32, #tpu.memory_space<hbm>>
    %dma_wait3A_424 = tpu.memref_slice %arg3[%mul3A_422] : memref<16777216xf32, #tpu.memory_space<hbm>> -> memref<16384xf32, #tpu.memory_space<hbm>>
    tpu.wait_dma2 semaphore(%arg19 : memref<!tpu.dma_semaphore, #tpu.memory_space<semaphore_mem>>) src(%arg7 : memref<16384xf32, #tpu.memory_space<vmem>>) dst(%dma_wait3A_424 : memref<16384xf32, #tpu.memory_space<hbm>>)
    %add3A_425 = arith.constant 672 : i32
    %add3A_426 = arith.addi %add3A_425, %add3A : i32
    %mul3A_427 = arith.constant 16384 : i32
    %mul3A_428 = arith.muli %add3A_426, %mul3A_427 : i32
    %dma_start3A_429 = tpu.memref_slice %arg2[%mul3A_428] : memref<16777216xf32, #tpu.memory_space<hbm>> -> memref<16384xf32, #tpu.memory_space<hbm>>
    %dma_start3A_430 = tpu.memref_slice %arg2[%mul3A_428] : memref<16777216xf32, #tpu.memory_space<hbm>> -> memref<16384xf32, #tpu.memory_space<hbm>>
    tpu.enqueue_dma source(%dma_start3A_430 : memref<16384xf32, #tpu.memory_space<hbm>>) target(%arg7 : memref<16384xf32, #tpu.memory_space<vmem>>) target_semaphore(%arg13 : memref<!tpu.dma_semaphore, #tpu.memory_space<semaphore_mem>>)
    %add3A_431 = arith.constant 544 : i32
    %add3A_432 = arith.addi %add3A_431, %add3A : i32
    %mul3A_433 = arith.constant 16384 : i32
    %mul3A_434 = arith.muli %add3A_432, %mul3A_433 : i32
    %dma_wait3A_435 = tpu.memref_slice %arg2[%mul3A_434] : memref<16777216xf32, #tpu.memory_space<hbm>> -> memref<16384xf32, #tpu.memory_space<hbm>>
    %dma_wait3A_436 = tpu.memref_slice %arg2[%mul3A_434] : memref<16777216xf32, #tpu.memory_space<hbm>> -> memref<16384xf32, #tpu.memory_space<hbm>>
    tpu.wait_dma2 semaphore(%arg15 : memref<!tpu.dma_semaphore, #tpu.memory_space<semaphore_mem>>) src(%dma_wait3A_436 : memref<16384xf32, #tpu.memory_space<hbm>>) dst(%arg9 : memref<16384xf32, #tpu.memory_space<vmem>>)
    %add3A_437 = arith.constant 544 : i32
    %add3A_438 = arith.addi %add3A_437, %add3A : i32
    %mul3A_439 = arith.constant 16384 : i32
    %mul3A_440 = arith.muli %add3A_438, %mul3A_439 : i32
    %dma_start3A_441 = tpu.memref_slice %arg3[%mul3A_440] : memref<16777216xf32, #tpu.memory_space<hbm>> -> memref<16384xf32, #tpu.memory_space<hbm>>
    %dma_start3A_442 = tpu.memref_slice %arg3[%mul3A_440] : memref<16777216xf32, #tpu.memory_space<hbm>> -> memref<16384xf32, #tpu.memory_space<hbm>>
    tpu.enqueue_dma source(%arg9 : memref<16384xf32, #tpu.memory_space<vmem>>) target(%dma_start3A_442 : memref<16384xf32, #tpu.memory_space<hbm>>) target_semaphore(%arg21 : memref<!tpu.dma_semaphore, #tpu.memory_space<semaphore_mem>>)
    %add3A_443 = arith.constant 512 : i32
    %add3A_444 = arith.addi %add3A_443, %add3A : i32
    %mul3A_445 = arith.constant 16384 : i32
    %mul3A_446 = arith.muli %add3A_444, %mul3A_445 : i32
    %dma_wait3A_447 = tpu.memref_slice %arg3[%mul3A_446] : memref<16777216xf32, #tpu.memory_space<hbm>> -> memref<16384xf32, #tpu.memory_space<hbm>>
    %dma_wait3A_448 = tpu.memref_slice %arg3[%mul3A_446] : memref<16777216xf32, #tpu.memory_space<hbm>> -> memref<16384xf32, #tpu.memory_space<hbm>>
    tpu.wait_dma2 semaphore(%arg20 : memref<!tpu.dma_semaphore, #tpu.memory_space<semaphore_mem>>) src(%arg8 : memref<16384xf32, #tpu.memory_space<vmem>>) dst(%dma_wait3A_448 : memref<16384xf32, #tpu.memory_space<hbm>>)
    %add3A_449 = arith.constant 704 : i32
    %add3A_450 = arith.addi %add3A_449, %add3A : i32
    %mul3A_451 = arith.constant 16384 : i32
    %mul3A_452 = arith.muli %add3A_450, %mul3A_451 : i32
    %dma_start3A_453 = tpu.memref_slice %arg2[%mul3A_452] : memref<16777216xf32, #tpu.memory_space<hbm>> -> memref<16384xf32, #tpu.memory_space<hbm>>
    %dma_start3A_454 = tpu.memref_slice %arg2[%mul3A_452] : memref<16777216xf32, #tpu.memory_space<hbm>> -> memref<16384xf32, #tpu.memory_space<hbm>>
    tpu.enqueue_dma source(%dma_start3A_454 : memref<16384xf32, #tpu.memory_space<hbm>>) target(%arg8 : memref<16384xf32, #tpu.memory_space<vmem>>) target_semaphore(%arg14 : memref<!tpu.dma_semaphore, #tpu.memory_space<semaphore_mem>>)
    %add3A_455 = arith.constant 576 : i32
    %add3A_456 = arith.addi %add3A_455, %add3A : i32
    %mul3A_457 = arith.constant 16384 : i32
    %mul3A_458 = arith.muli %add3A_456, %mul3A_457 : i32
    %dma_wait3A_459 = tpu.memref_slice %arg2[%mul3A_458] : memref<16777216xf32, #tpu.memory_space<hbm>> -> memref<16384xf32, #tpu.memory_space<hbm>>
    %dma_wait3A_460 = tpu.memref_slice %arg2[%mul3A_458] : memref<16777216xf32, #tpu.memory_space<hbm>> -> memref<16384xf32, #tpu.memory_space<hbm>>
    tpu.wait_dma2 semaphore(%arg10 : memref<!tpu.dma_semaphore, #tpu.memory_space<semaphore_mem>>) src(%dma_wait3A_460 : memref<16384xf32, #tpu.memory_space<hbm>>) dst(%arg4 : memref<16384xf32, #tpu.memory_space<vmem>>)
    %add3A_461 = arith.constant 576 : i32
    %add3A_462 = arith.addi %add3A_461, %add3A : i32
    %mul3A_463 = arith.constant 16384 : i32
    %mul3A_464 = arith.muli %add3A_462, %mul3A_463 : i32
    %dma_start3A_465 = tpu.memref_slice %arg3[%mul3A_464] : memref<16777216xf32, #tpu.memory_space<hbm>> -> memref<16384xf32, #tpu.memory_space<hbm>>
    %dma_start3A_466 = tpu.memref_slice %arg3[%mul3A_464] : memref<16777216xf32, #tpu.memory_space<hbm>> -> memref<16384xf32, #tpu.memory_space<hbm>>
    tpu.enqueue_dma source(%arg4 : memref<16384xf32, #tpu.memory_space<vmem>>) target(%dma_start3A_466 : memref<16384xf32, #tpu.memory_space<hbm>>) target_semaphore(%arg16 : memref<!tpu.dma_semaphore, #tpu.memory_space<semaphore_mem>>)
    %add3A_467 = arith.constant 544 : i32
    %add3A_468 = arith.addi %add3A_467, %add3A : i32
    %mul3A_469 = arith.constant 16384 : i32
    %mul3A_470 = arith.muli %add3A_468, %mul3A_469 : i32
    %dma_wait3A_471 = tpu.memref_slice %arg3[%mul3A_470] : memref<16777216xf32, #tpu.memory_space<hbm>> -> memref<16384xf32, #tpu.memory_space<hbm>>
    %dma_wait3A_472 = tpu.memref_slice %arg3[%mul3A_470] : memref<16777216xf32, #tpu.memory_space<hbm>> -> memref<16384xf32, #tpu.memory_space<hbm>>
    tpu.wait_dma2 semaphore(%arg21 : memref<!tpu.dma_semaphore, #tpu.memory_space<semaphore_mem>>) src(%arg9 : memref<16384xf32, #tpu.memory_space<vmem>>) dst(%dma_wait3A_472 : memref<16384xf32, #tpu.memory_space<hbm>>)
    %add3A_473 = arith.constant 736 : i32
    %add3A_474 = arith.addi %add3A_473, %add3A : i32
    %mul3A_475 = arith.constant 16384 : i32
    %mul3A_476 = arith.muli %add3A_474, %mul3A_475 : i32
    %dma_start3A_477 = tpu.memref_slice %arg2[%mul3A_476] : memref<16777216xf32, #tpu.memory_space<hbm>> -> memref<16384xf32, #tpu.memory_space<hbm>>
    %dma_start3A_478 = tpu.memref_slice %arg2[%mul3A_476] : memref<16777216xf32, #tpu.memory_space<hbm>> -> memref<16384xf32, #tpu.memory_space<hbm>>
    tpu.enqueue_dma source(%dma_start3A_478 : memref<16384xf32, #tpu.memory_space<hbm>>) target(%arg9 : memref<16384xf32, #tpu.memory_space<vmem>>) target_semaphore(%arg15 : memref<!tpu.dma_semaphore, #tpu.memory_space<semaphore_mem>>)
    %add3A_479 = arith.constant 608 : i32
    %add3A_480 = arith.addi %add3A_479, %add3A : i32
    %mul3A_481 = arith.constant 16384 : i32
    %mul3A_482 = arith.muli %add3A_480, %mul3A_481 : i32
    %dma_wait3A_483 = tpu.memref_slice %arg2[%mul3A_482] : memref<16777216xf32, #tpu.memory_space<hbm>> -> memref<16384xf32, #tpu.memory_space<hbm>>
    %dma_wait3A_484 = tpu.memref_slice %arg2[%mul3A_482] : memref<16777216xf32, #tpu.memory_space<hbm>> -> memref<16384xf32, #tpu.memory_space<hbm>>
    tpu.wait_dma2 semaphore(%arg11 : memref<!tpu.dma_semaphore, #tpu.memory_space<semaphore_mem>>) src(%dma_wait3A_484 : memref<16384xf32, #tpu.memory_space<hbm>>) dst(%arg5 : memref<16384xf32, #tpu.memory_space<vmem>>)
    %add3A_485 = arith.constant 608 : i32
    %add3A_486 = arith.addi %add3A_485, %add3A : i32
    %mul3A_487 = arith.constant 16384 : i32
    %mul3A_488 = arith.muli %add3A_486, %mul3A_487 : i32
    %dma_start3A_489 = tpu.memref_slice %arg3[%mul3A_488] : memref<16777216xf32, #tpu.memory_space<hbm>> -> memref<16384xf32, #tpu.memory_space<hbm>>
    %dma_start3A_490 = tpu.memref_slice %arg3[%mul3A_488] : memref<16777216xf32, #tpu.memory_space<hbm>> -> memref<16384xf32, #tpu.memory_space<hbm>>
    tpu.enqueue_dma source(%arg5 : memref<16384xf32, #tpu.memory_space<vmem>>) target(%dma_start3A_490 : memref<16384xf32, #tpu.memory_space<hbm>>) target_semaphore(%arg17 : memref<!tpu.dma_semaphore, #tpu.memory_space<semaphore_mem>>)
    %add3A_491 = arith.constant 576 : i32
    %add3A_492 = arith.addi %add3A_491, %add3A : i32
    %mul3A_493 = arith.constant 16384 : i32
    %mul3A_494 = arith.muli %add3A_492, %mul3A_493 : i32
    %dma_wait3A_495 = tpu.memref_slice %arg3[%mul3A_494] : memref<16777216xf32, #tpu.memory_space<hbm>> -> memref<16384xf32, #tpu.memory_space<hbm>>
    %dma_wait3A_496 = tpu.memref_slice %arg3[%mul3A_494] : memref<16777216xf32, #tpu.memory_space<hbm>> -> memref<16384xf32, #tpu.memory_space<hbm>>
    tpu.wait_dma2 semaphore(%arg16 : memref<!tpu.dma_semaphore, #tpu.memory_space<semaphore_mem>>) src(%arg4 : memref<16384xf32, #tpu.memory_space<vmem>>) dst(%dma_wait3A_496 : memref<16384xf32, #tpu.memory_space<hbm>>)
    %add3A_497 = arith.constant 768 : i32
    %add3A_498 = arith.addi %add3A_497, %add3A : i32
    %mul3A_499 = arith.constant 16384 : i32
    %mul3A_500 = arith.muli %add3A_498, %mul3A_499 : i32
    %dma_start3A_501 = tpu.memref_slice %arg2[%mul3A_500] : memref<16777216xf32, #tpu.memory_space<hbm>> -> memref<16384xf32, #tpu.memory_space<hbm>>
    %dma_start3A_502 = tpu.memref_slice %arg2[%mul3A_500] : memref<16777216xf32, #tpu.memory_space<hbm>> -> memref<16384xf32, #tpu.memory_space<hbm>>
    tpu.enqueue_dma source(%dma_start3A_502 : memref<16384xf32, #tpu.memory_space<hbm>>) target(%arg4 : memref<16384xf32, #tpu.memory_space<vmem>>) target_semaphore(%arg10 : memref<!tpu.dma_semaphore, #tpu.memory_space<semaphore_mem>>)
    %add3A_503 = arith.constant 640 : i32
    %add3A_504 = arith.addi %add3A_503, %add3A : i32
    %mul3A_505 = arith.constant 16384 : i32
    %mul3A_506 = arith.muli %add3A_504, %mul3A_505 : i32
    %dma_wait3A_507 = tpu.memref_slice %arg2[%mul3A_506] : memref<16777216xf32, #tpu.memory_space<hbm>> -> memref<16384xf32, #tpu.memory_space<hbm>>
    %dma_wait3A_508 = tpu.memref_slice %arg2[%mul3A_506] : memref<16777216xf32, #tpu.memory_space<hbm>> -> memref<16384xf32, #tpu.memory_space<hbm>>
    tpu.wait_dma2 semaphore(%arg12 : memref<!tpu.dma_semaphore, #tpu.memory_space<semaphore_mem>>) src(%dma_wait3A_508 : memref<16384xf32, #tpu.memory_space<hbm>>) dst(%arg6 : memref<16384xf32, #tpu.memory_space<vmem>>)
    %add3A_509 = arith.constant 640 : i32
    %add3A_510 = arith.addi %add3A_509, %add3A : i32
    %mul3A_511 = arith.constant 16384 : i32
    %mul3A_512 = arith.muli %add3A_510, %mul3A_511 : i32
    %dma_start3A_513 = tpu.memref_slice %arg3[%mul3A_512] : memref<16777216xf32, #tpu.memory_space<hbm>> -> memref<16384xf32, #tpu.memory_space<hbm>>
    %dma_start3A_514 = tpu.memref_slice %arg3[%mul3A_512] : memref<16777216xf32, #tpu.memory_space<hbm>> -> memref<16384xf32, #tpu.memory_space<hbm>>
    tpu.enqueue_dma source(%arg6 : memref<16384xf32, #tpu.memory_space<vmem>>) target(%dma_start3A_514 : memref<16384xf32, #tpu.memory_space<hbm>>) target_semaphore(%arg18 : memref<!tpu.dma_semaphore, #tpu.memory_space<semaphore_mem>>)
    %add3A_515 = arith.constant 608 : i32
    %add3A_516 = arith.addi %add3A_515, %add3A : i32
    %mul3A_517 = arith.constant 16384 : i32
    %mul3A_518 = arith.muli %add3A_516, %mul3A_517 : i32
    %dma_wait3A_519 = tpu.memref_slice %arg3[%mul3A_518] : memref<16777216xf32, #tpu.memory_space<hbm>> -> memref<16384xf32, #tpu.memory_space<hbm>>
    %dma_wait3A_520 = tpu.memref_slice %arg3[%mul3A_518] : memref<16777216xf32, #tpu.memory_space<hbm>> -> memref<16384xf32, #tpu.memory_space<hbm>>
    tpu.wait_dma2 semaphore(%arg17 : memref<!tpu.dma_semaphore, #tpu.memory_space<semaphore_mem>>) src(%arg5 : memref<16384xf32, #tpu.memory_space<vmem>>) dst(%dma_wait3A_520 : memref<16384xf32, #tpu.memory_space<hbm>>)
    %add3A_521 = arith.constant 800 : i32
    %add3A_522 = arith.addi %add3A_521, %add3A : i32
    %mul3A_523 = arith.constant 16384 : i32
    %mul3A_524 = arith.muli %add3A_522, %mul3A_523 : i32
    %dma_start3A_525 = tpu.memref_slice %arg2[%mul3A_524] : memref<16777216xf32, #tpu.memory_space<hbm>> -> memref<16384xf32, #tpu.memory_space<hbm>>
    %dma_start3A_526 = tpu.memref_slice %arg2[%mul3A_524] : memref<16777216xf32, #tpu.memory_space<hbm>> -> memref<16384xf32, #tpu.memory_space<hbm>>
    tpu.enqueue_dma source(%dma_start3A_526 : memref<16384xf32, #tpu.memory_space<hbm>>) target(%arg5 : memref<16384xf32, #tpu.memory_space<vmem>>) target_semaphore(%arg11 : memref<!tpu.dma_semaphore, #tpu.memory_space<semaphore_mem>>)
    %add3A_527 = arith.constant 672 : i32
    %add3A_528 = arith.addi %add3A_527, %add3A : i32
    %mul3A_529 = arith.constant 16384 : i32
    %mul3A_530 = arith.muli %add3A_528, %mul3A_529 : i32
    %dma_wait3A_531 = tpu.memref_slice %arg2[%mul3A_530] : memref<16777216xf32, #tpu.memory_space<hbm>> -> memref<16384xf32, #tpu.memory_space<hbm>>
    %dma_wait3A_532 = tpu.memref_slice %arg2[%mul3A_530] : memref<16777216xf32, #tpu.memory_space<hbm>> -> memref<16384xf32, #tpu.memory_space<hbm>>
    tpu.wait_dma2 semaphore(%arg13 : memref<!tpu.dma_semaphore, #tpu.memory_space<semaphore_mem>>) src(%dma_wait3A_532 : memref<16384xf32, #tpu.memory_space<hbm>>) dst(%arg7 : memref<16384xf32, #tpu.memory_space<vmem>>)
    %add3A_533 = arith.constant 672 : i32
    %add3A_534 = arith.addi %add3A_533, %add3A : i32
    %mul3A_535 = arith.constant 16384 : i32
    %mul3A_536 = arith.muli %add3A_534, %mul3A_535 : i32
    %dma_start3A_537 = tpu.memref_slice %arg3[%mul3A_536] : memref<16777216xf32, #tpu.memory_space<hbm>> -> memref<16384xf32, #tpu.memory_space<hbm>>
    %dma_start3A_538 = tpu.memref_slice %arg3[%mul3A_536] : memref<16777216xf32, #tpu.memory_space<hbm>> -> memref<16384xf32, #tpu.memory_space<hbm>>
    tpu.enqueue_dma source(%arg7 : memref<16384xf32, #tpu.memory_space<vmem>>) target(%dma_start3A_538 : memref<16384xf32, #tpu.memory_space<hbm>>) target_semaphore(%arg19 : memref<!tpu.dma_semaphore, #tpu.memory_space<semaphore_mem>>)
    %add3A_539 = arith.constant 640 : i32
    %add3A_540 = arith.addi %add3A_539, %add3A : i32
    %mul3A_541 = arith.constant 16384 : i32
    %mul3A_542 = arith.muli %add3A_540, %mul3A_541 : i32
    %dma_wait3A_543 = tpu.memref_slice %arg3[%mul3A_542] : memref<16777216xf32, #tpu.memory_space<hbm>> -> memref<16384xf32, #tpu.memory_space<hbm>>
    %dma_wait3A_544 = tpu.memref_slice %arg3[%mul3A_542] : memref<16777216xf32, #tpu.memory_space<hbm>> -> memref<16384xf32, #tpu.memory_space<hbm>>
    tpu.wait_dma2 semaphore(%arg18 : memref<!tpu.dma_semaphore, #tpu.memory_space<semaphore_mem>>) src(%arg6 : memref<16384xf32, #tpu.memory_space<vmem>>) dst(%dma_wait3A_544 : memref<16384xf32, #tpu.memory_space<hbm>>)
    %add3A_545 = arith.constant 832 : i32
    %add3A_546 = arith.addi %add3A_545, %add3A : i32
    %mul3A_547 = arith.constant 16384 : i32
    %mul3A_548 = arith.muli %add3A_546, %mul3A_547 : i32
    %dma_start3A_549 = tpu.memref_slice %arg2[%mul3A_548] : memref<16777216xf32, #tpu.memory_space<hbm>> -> memref<16384xf32, #tpu.memory_space<hbm>>
    %dma_start3A_550 = tpu.memref_slice %arg2[%mul3A_548] : memref<16777216xf32, #tpu.memory_space<hbm>> -> memref<16384xf32, #tpu.memory_space<hbm>>
    tpu.enqueue_dma source(%dma_start3A_550 : memref<16384xf32, #tpu.memory_space<hbm>>) target(%arg6 : memref<16384xf32, #tpu.memory_space<vmem>>) target_semaphore(%arg12 : memref<!tpu.dma_semaphore, #tpu.memory_space<semaphore_mem>>)
    %add3A_551 = arith.constant 704 : i32
    %add3A_552 = arith.addi %add3A_551, %add3A : i32
    %mul3A_553 = arith.constant 16384 : i32
    %mul3A_554 = arith.muli %add3A_552, %mul3A_553 : i32
    %dma_wait3A_555 = tpu.memref_slice %arg2[%mul3A_554] : memref<16777216xf32, #tpu.memory_space<hbm>> -> memref<16384xf32, #tpu.memory_space<hbm>>
    %dma_wait3A_556 = tpu.memref_slice %arg2[%mul3A_554] : memref<16777216xf32, #tpu.memory_space<hbm>> -> memref<16384xf32, #tpu.memory_space<hbm>>
    tpu.wait_dma2 semaphore(%arg14 : memref<!tpu.dma_semaphore, #tpu.memory_space<semaphore_mem>>) src(%dma_wait3A_556 : memref<16384xf32, #tpu.memory_space<hbm>>) dst(%arg8 : memref<16384xf32, #tpu.memory_space<vmem>>)
    %add3A_557 = arith.constant 704 : i32
    %add3A_558 = arith.addi %add3A_557, %add3A : i32
    %mul3A_559 = arith.constant 16384 : i32
    %mul3A_560 = arith.muli %add3A_558, %mul3A_559 : i32
    %dma_start3A_561 = tpu.memref_slice %arg3[%mul3A_560] : memref<16777216xf32, #tpu.memory_space<hbm>> -> memref<16384xf32, #tpu.memory_space<hbm>>
    %dma_start3A_562 = tpu.memref_slice %arg3[%mul3A_560] : memref<16777216xf32, #tpu.memory_space<hbm>> -> memref<16384xf32, #tpu.memory_space<hbm>>
    tpu.enqueue_dma source(%arg8 : memref<16384xf32, #tpu.memory_space<vmem>>) target(%dma_start3A_562 : memref<16384xf32, #tpu.memory_space<hbm>>) target_semaphore(%arg20 : memref<!tpu.dma_semaphore, #tpu.memory_space<semaphore_mem>>)
    %add3A_563 = arith.constant 672 : i32
    %add3A_564 = arith.addi %add3A_563, %add3A : i32
    %mul3A_565 = arith.constant 16384 : i32
    %mul3A_566 = arith.muli %add3A_564, %mul3A_565 : i32
    %dma_wait3A_567 = tpu.memref_slice %arg3[%mul3A_566] : memref<16777216xf32, #tpu.memory_space<hbm>> -> memref<16384xf32, #tpu.memory_space<hbm>>
    %dma_wait3A_568 = tpu.memref_slice %arg3[%mul3A_566] : memref<16777216xf32, #tpu.memory_space<hbm>> -> memref<16384xf32, #tpu.memory_space<hbm>>
    tpu.wait_dma2 semaphore(%arg19 : memref<!tpu.dma_semaphore, #tpu.memory_space<semaphore_mem>>) src(%arg7 : memref<16384xf32, #tpu.memory_space<vmem>>) dst(%dma_wait3A_568 : memref<16384xf32, #tpu.memory_space<hbm>>)
    %add3A_569 = arith.constant 864 : i32
    %add3A_570 = arith.addi %add3A_569, %add3A : i32
    %mul3A_571 = arith.constant 16384 : i32
    %mul3A_572 = arith.muli %add3A_570, %mul3A_571 : i32
    %dma_start3A_573 = tpu.memref_slice %arg2[%mul3A_572] : memref<16777216xf32, #tpu.memory_space<hbm>> -> memref<16384xf32, #tpu.memory_space<hbm>>
    %dma_start3A_574 = tpu.memref_slice %arg2[%mul3A_572] : memref<16777216xf32, #tpu.memory_space<hbm>> -> memref<16384xf32, #tpu.memory_space<hbm>>
    tpu.enqueue_dma source(%dma_start3A_574 : memref<16384xf32, #tpu.memory_space<hbm>>) target(%arg7 : memref<16384xf32, #tpu.memory_space<vmem>>) target_semaphore(%arg13 : memref<!tpu.dma_semaphore, #tpu.memory_space<semaphore_mem>>)
    %add3A_575 = arith.constant 736 : i32
    %add3A_576 = arith.addi %add3A_575, %add3A : i32
    %mul3A_577 = arith.constant 16384 : i32
    %mul3A_578 = arith.muli %add3A_576, %mul3A_577 : i32
    %dma_wait3A_579 = tpu.memref_slice %arg2[%mul3A_578] : memref<16777216xf32, #tpu.memory_space<hbm>> -> memref<16384xf32, #tpu.memory_space<hbm>>
    %dma_wait3A_580 = tpu.memref_slice %arg2[%mul3A_578] : memref<16777216xf32, #tpu.memory_space<hbm>> -> memref<16384xf32, #tpu.memory_space<hbm>>
    tpu.wait_dma2 semaphore(%arg15 : memref<!tpu.dma_semaphore, #tpu.memory_space<semaphore_mem>>) src(%dma_wait3A_580 : memref<16384xf32, #tpu.memory_space<hbm>>) dst(%arg9 : memref<16384xf32, #tpu.memory_space<vmem>>)
    %add3A_581 = arith.constant 736 : i32
    %add3A_582 = arith.addi %add3A_581, %add3A : i32
    %mul3A_583 = arith.constant 16384 : i32
    %mul3A_584 = arith.muli %add3A_582, %mul3A_583 : i32
    %dma_start3A_585 = tpu.memref_slice %arg3[%mul3A_584] : memref<16777216xf32, #tpu.memory_space<hbm>> -> memref<16384xf32, #tpu.memory_space<hbm>>
    %dma_start3A_586 = tpu.memref_slice %arg3[%mul3A_584] : memref<16777216xf32, #tpu.memory_space<hbm>> -> memref<16384xf32, #tpu.memory_space<hbm>>
    tpu.enqueue_dma source(%arg9 : memref<16384xf32, #tpu.memory_space<vmem>>) target(%dma_start3A_586 : memref<16384xf32, #tpu.memory_space<hbm>>) target_semaphore(%arg21 : memref<!tpu.dma_semaphore, #tpu.memory_space<semaphore_mem>>)
    %add3A_587 = arith.constant 704 : i32
    %add3A_588 = arith.addi %add3A_587, %add3A : i32
    %mul3A_589 = arith.constant 16384 : i32
    %mul3A_590 = arith.muli %add3A_588, %mul3A_589 : i32
    %dma_wait3A_591 = tpu.memref_slice %arg3[%mul3A_590] : memref<16777216xf32, #tpu.memory_space<hbm>> -> memref<16384xf32, #tpu.memory_space<hbm>>
    %dma_wait3A_592 = tpu.memref_slice %arg3[%mul3A_590] : memref<16777216xf32, #tpu.memory_space<hbm>> -> memref<16384xf32, #tpu.memory_space<hbm>>
    tpu.wait_dma2 semaphore(%arg20 : memref<!tpu.dma_semaphore, #tpu.memory_space<semaphore_mem>>) src(%arg8 : memref<16384xf32, #tpu.memory_space<vmem>>) dst(%dma_wait3A_592 : memref<16384xf32, #tpu.memory_space<hbm>>)
    %add3A_593 = arith.constant 896 : i32
    %add3A_594 = arith.addi %add3A_593, %add3A : i32
    %mul3A_595 = arith.constant 16384 : i32
    %mul3A_596 = arith.muli %add3A_594, %mul3A_595 : i32
    %dma_start3A_597 = tpu.memref_slice %arg2[%mul3A_596] : memref<16777216xf32, #tpu.memory_space<hbm>> -> memref<16384xf32, #tpu.memory_space<hbm>>
    %dma_start3A_598 = tpu.memref_slice %arg2[%mul3A_596] : memref<16777216xf32, #tpu.memory_space<hbm>> -> memref<16384xf32, #tpu.memory_space<hbm>>
    tpu.enqueue_dma source(%dma_start3A_598 : memref<16384xf32, #tpu.memory_space<hbm>>) target(%arg8 : memref<16384xf32, #tpu.memory_space<vmem>>) target_semaphore(%arg14 : memref<!tpu.dma_semaphore, #tpu.memory_space<semaphore_mem>>)
    %add3A_599 = arith.constant 768 : i32
    %add3A_600 = arith.addi %add3A_599, %add3A : i32
    %mul3A_601 = arith.constant 16384 : i32
    %mul3A_602 = arith.muli %add3A_600, %mul3A_601 : i32
    %dma_wait3A_603 = tpu.memref_slice %arg2[%mul3A_602] : memref<16777216xf32, #tpu.memory_space<hbm>> -> memref<16384xf32, #tpu.memory_space<hbm>>
    %dma_wait3A_604 = tpu.memref_slice %arg2[%mul3A_602] : memref<16777216xf32, #tpu.memory_space<hbm>> -> memref<16384xf32, #tpu.memory_space<hbm>>
    tpu.wait_dma2 semaphore(%arg10 : memref<!tpu.dma_semaphore, #tpu.memory_space<semaphore_mem>>) src(%dma_wait3A_604 : memref<16384xf32, #tpu.memory_space<hbm>>) dst(%arg4 : memref<16384xf32, #tpu.memory_space<vmem>>)
    %add3A_605 = arith.constant 768 : i32
    %add3A_606 = arith.addi %add3A_605, %add3A : i32
    %mul3A_607 = arith.constant 16384 : i32
    %mul3A_608 = arith.muli %add3A_606, %mul3A_607 : i32
    %dma_start3A_609 = tpu.memref_slice %arg3[%mul3A_608] : memref<16777216xf32, #tpu.memory_space<hbm>> -> memref<16384xf32, #tpu.memory_space<hbm>>
    %dma_start3A_610 = tpu.memref_slice %arg3[%mul3A_608] : memref<16777216xf32, #tpu.memory_space<hbm>> -> memref<16384xf32, #tpu.memory_space<hbm>>
    tpu.enqueue_dma source(%arg4 : memref<16384xf32, #tpu.memory_space<vmem>>) target(%dma_start3A_610 : memref<16384xf32, #tpu.memory_space<hbm>>) target_semaphore(%arg16 : memref<!tpu.dma_semaphore, #tpu.memory_space<semaphore_mem>>)
    %add3A_611 = arith.constant 736 : i32
    %add3A_612 = arith.addi %add3A_611, %add3A : i32
    %mul3A_613 = arith.constant 16384 : i32
    %mul3A_614 = arith.muli %add3A_612, %mul3A_613 : i32
    %dma_wait3A_615 = tpu.memref_slice %arg3[%mul3A_614] : memref<16777216xf32, #tpu.memory_space<hbm>> -> memref<16384xf32, #tpu.memory_space<hbm>>
    %dma_wait3A_616 = tpu.memref_slice %arg3[%mul3A_614] : memref<16777216xf32, #tpu.memory_space<hbm>> -> memref<16384xf32, #tpu.memory_space<hbm>>
    tpu.wait_dma2 semaphore(%arg21 : memref<!tpu.dma_semaphore, #tpu.memory_space<semaphore_mem>>) src(%arg9 : memref<16384xf32, #tpu.memory_space<vmem>>) dst(%dma_wait3A_616 : memref<16384xf32, #tpu.memory_space<hbm>>)
    %add3A_617 = arith.constant 928 : i32
    %add3A_618 = arith.addi %add3A_617, %add3A : i32
    %mul3A_619 = arith.constant 16384 : i32
    %mul3A_620 = arith.muli %add3A_618, %mul3A_619 : i32
    %dma_start3A_621 = tpu.memref_slice %arg2[%mul3A_620] : memref<16777216xf32, #tpu.memory_space<hbm>> -> memref<16384xf32, #tpu.memory_space<hbm>>
    %dma_start3A_622 = tpu.memref_slice %arg2[%mul3A_620] : memref<16777216xf32, #tpu.memory_space<hbm>> -> memref<16384xf32, #tpu.memory_space<hbm>>
    tpu.enqueue_dma source(%dma_start3A_622 : memref<16384xf32, #tpu.memory_space<hbm>>) target(%arg9 : memref<16384xf32, #tpu.memory_space<vmem>>) target_semaphore(%arg15 : memref<!tpu.dma_semaphore, #tpu.memory_space<semaphore_mem>>)
    %add3A_623 = arith.constant 800 : i32
    %add3A_624 = arith.addi %add3A_623, %add3A : i32
    %mul3A_625 = arith.constant 16384 : i32
    %mul3A_626 = arith.muli %add3A_624, %mul3A_625 : i32
    %dma_wait3A_627 = tpu.memref_slice %arg2[%mul3A_626] : memref<16777216xf32, #tpu.memory_space<hbm>> -> memref<16384xf32, #tpu.memory_space<hbm>>
    %dma_wait3A_628 = tpu.memref_slice %arg2[%mul3A_626] : memref<16777216xf32, #tpu.memory_space<hbm>> -> memref<16384xf32, #tpu.memory_space<hbm>>
    tpu.wait_dma2 semaphore(%arg11 : memref<!tpu.dma_semaphore, #tpu.memory_space<semaphore_mem>>) src(%dma_wait3A_628 : memref<16384xf32, #tpu.memory_space<hbm>>) dst(%arg5 : memref<16384xf32, #tpu.memory_space<vmem>>)
    %add3A_629 = arith.constant 800 : i32
    %add3A_630 = arith.addi %add3A_629, %add3A : i32
    %mul3A_631 = arith.constant 16384 : i32
    %mul3A_632 = arith.muli %add3A_630, %mul3A_631 : i32
    %dma_start3A_633 = tpu.memref_slice %arg3[%mul3A_632] : memref<16777216xf32, #tpu.memory_space<hbm>> -> memref<16384xf32, #tpu.memory_space<hbm>>
    %dma_start3A_634 = tpu.memref_slice %arg3[%mul3A_632] : memref<16777216xf32, #tpu.memory_space<hbm>> -> memref<16384xf32, #tpu.memory_space<hbm>>
    tpu.enqueue_dma source(%arg5 : memref<16384xf32, #tpu.memory_space<vmem>>) target(%dma_start3A_634 : memref<16384xf32, #tpu.memory_space<hbm>>) target_semaphore(%arg17 : memref<!tpu.dma_semaphore, #tpu.memory_space<semaphore_mem>>)
    %add3A_635 = arith.constant 768 : i32
    %add3A_636 = arith.addi %add3A_635, %add3A : i32
    %mul3A_637 = arith.constant 16384 : i32
    %mul3A_638 = arith.muli %add3A_636, %mul3A_637 : i32
    %dma_wait3A_639 = tpu.memref_slice %arg3[%mul3A_638] : memref<16777216xf32, #tpu.memory_space<hbm>> -> memref<16384xf32, #tpu.memory_space<hbm>>
    %dma_wait3A_640 = tpu.memref_slice %arg3[%mul3A_638] : memref<16777216xf32, #tpu.memory_space<hbm>> -> memref<16384xf32, #tpu.memory_space<hbm>>
    tpu.wait_dma2 semaphore(%arg16 : memref<!tpu.dma_semaphore, #tpu.memory_space<semaphore_mem>>) src(%arg4 : memref<16384xf32, #tpu.memory_space<vmem>>) dst(%dma_wait3A_640 : memref<16384xf32, #tpu.memory_space<hbm>>)
    %add3A_641 = arith.constant 960 : i32
    %add3A_642 = arith.addi %add3A_641, %add3A : i32
    %mul3A_643 = arith.constant 16384 : i32
    %mul3A_644 = arith.muli %add3A_642, %mul3A_643 : i32
    %dma_start3A_645 = tpu.memref_slice %arg2[%mul3A_644] : memref<16777216xf32, #tpu.memory_space<hbm>> -> memref<16384xf32, #tpu.memory_space<hbm>>
    %dma_start3A_646 = tpu.memref_slice %arg2[%mul3A_644] : memref<16777216xf32, #tpu.memory_space<hbm>> -> memref<16384xf32, #tpu.memory_space<hbm>>
    tpu.enqueue_dma source(%dma_start3A_646 : memref<16384xf32, #tpu.memory_space<hbm>>) target(%arg4 : memref<16384xf32, #tpu.memory_space<vmem>>) target_semaphore(%arg10 : memref<!tpu.dma_semaphore, #tpu.memory_space<semaphore_mem>>)
    %add3A_647 = arith.constant 832 : i32
    %add3A_648 = arith.addi %add3A_647, %add3A : i32
    %mul3A_649 = arith.constant 16384 : i32
    %mul3A_650 = arith.muli %add3A_648, %mul3A_649 : i32
    %dma_wait3A_651 = tpu.memref_slice %arg2[%mul3A_650] : memref<16777216xf32, #tpu.memory_space<hbm>> -> memref<16384xf32, #tpu.memory_space<hbm>>
    %dma_wait3A_652 = tpu.memref_slice %arg2[%mul3A_650] : memref<16777216xf32, #tpu.memory_space<hbm>> -> memref<16384xf32, #tpu.memory_space<hbm>>
    tpu.wait_dma2 semaphore(%arg12 : memref<!tpu.dma_semaphore, #tpu.memory_space<semaphore_mem>>) src(%dma_wait3A_652 : memref<16384xf32, #tpu.memory_space<hbm>>) dst(%arg6 : memref<16384xf32, #tpu.memory_space<vmem>>)
    %add3A_653 = arith.constant 832 : i32
    %add3A_654 = arith.addi %add3A_653, %add3A : i32
    %mul3A_655 = arith.constant 16384 : i32
    %mul3A_656 = arith.muli %add3A_654, %mul3A_655 : i32
    %dma_start3A_657 = tpu.memref_slice %arg3[%mul3A_656] : memref<16777216xf32, #tpu.memory_space<hbm>> -> memref<16384xf32, #tpu.memory_space<hbm>>
    %dma_start3A_658 = tpu.memref_slice %arg3[%mul3A_656] : memref<16777216xf32, #tpu.memory_space<hbm>> -> memref<16384xf32, #tpu.memory_space<hbm>>
    tpu.enqueue_dma source(%arg6 : memref<16384xf32, #tpu.memory_space<vmem>>) target(%dma_start3A_658 : memref<16384xf32, #tpu.memory_space<hbm>>) target_semaphore(%arg18 : memref<!tpu.dma_semaphore, #tpu.memory_space<semaphore_mem>>)
    %add3A_659 = arith.constant 800 : i32
    %add3A_660 = arith.addi %add3A_659, %add3A : i32
    %mul3A_661 = arith.constant 16384 : i32
    %mul3A_662 = arith.muli %add3A_660, %mul3A_661 : i32
    %dma_wait3A_663 = tpu.memref_slice %arg3[%mul3A_662] : memref<16777216xf32, #tpu.memory_space<hbm>> -> memref<16384xf32, #tpu.memory_space<hbm>>
    %dma_wait3A_664 = tpu.memref_slice %arg3[%mul3A_662] : memref<16777216xf32, #tpu.memory_space<hbm>> -> memref<16384xf32, #tpu.memory_space<hbm>>
    tpu.wait_dma2 semaphore(%arg17 : memref<!tpu.dma_semaphore, #tpu.memory_space<semaphore_mem>>) src(%arg5 : memref<16384xf32, #tpu.memory_space<vmem>>) dst(%dma_wait3A_664 : memref<16384xf32, #tpu.memory_space<hbm>>)
    %add3A_665 = arith.constant 992 : i32
    %add3A_666 = arith.addi %add3A_665, %add3A : i32
    %mul3A_667 = arith.constant 16384 : i32
    %mul3A_668 = arith.muli %add3A_666, %mul3A_667 : i32
    %dma_start3A_669 = tpu.memref_slice %arg2[%mul3A_668] : memref<16777216xf32, #tpu.memory_space<hbm>> -> memref<16384xf32, #tpu.memory_space<hbm>>
    %dma_start3A_670 = tpu.memref_slice %arg2[%mul3A_668] : memref<16777216xf32, #tpu.memory_space<hbm>> -> memref<16384xf32, #tpu.memory_space<hbm>>
    tpu.enqueue_dma source(%dma_start3A_670 : memref<16384xf32, #tpu.memory_space<hbm>>) target(%arg5 : memref<16384xf32, #tpu.memory_space<vmem>>) target_semaphore(%arg11 : memref<!tpu.dma_semaphore, #tpu.memory_space<semaphore_mem>>)
    %add3A_671 = arith.constant 864 : i32
    %add3A_672 = arith.addi %add3A_671, %add3A : i32
    %mul3A_673 = arith.constant 16384 : i32
    %mul3A_674 = arith.muli %add3A_672, %mul3A_673 : i32
    %dma_wait3A_675 = tpu.memref_slice %arg2[%mul3A_674] : memref<16777216xf32, #tpu.memory_space<hbm>> -> memref<16384xf32, #tpu.memory_space<hbm>>
    %dma_wait3A_676 = tpu.memref_slice %arg2[%mul3A_674] : memref<16777216xf32, #tpu.memory_space<hbm>> -> memref<16384xf32, #tpu.memory_space<hbm>>
    tpu.wait_dma2 semaphore(%arg13 : memref<!tpu.dma_semaphore, #tpu.memory_space<semaphore_mem>>) src(%dma_wait3A_676 : memref<16384xf32, #tpu.memory_space<hbm>>) dst(%arg7 : memref<16384xf32, #tpu.memory_space<vmem>>)
    %add3A_677 = arith.constant 864 : i32
    %add3A_678 = arith.addi %add3A_677, %add3A : i32
    %mul3A_679 = arith.constant 16384 : i32
    %mul3A_680 = arith.muli %add3A_678, %mul3A_679 : i32
    %dma_start3A_681 = tpu.memref_slice %arg3[%mul3A_680] : memref<16777216xf32, #tpu.memory_space<hbm>> -> memref<16384xf32, #tpu.memory_space<hbm>>
    %dma_start3A_682 = tpu.memref_slice %arg3[%mul3A_680] : memref<16777216xf32, #tpu.memory_space<hbm>> -> memref<16384xf32, #tpu.memory_space<hbm>>
    tpu.enqueue_dma source(%arg7 : memref<16384xf32, #tpu.memory_space<vmem>>) target(%dma_start3A_682 : memref<16384xf32, #tpu.memory_space<hbm>>) target_semaphore(%arg19 : memref<!tpu.dma_semaphore, #tpu.memory_space<semaphore_mem>>)
    %add3A_683 = arith.constant 896 : i32
    %add3A_684 = arith.addi %add3A_683, %add3A : i32
    %mul3A_685 = arith.constant 16384 : i32
    %mul3A_686 = arith.muli %add3A_684, %mul3A_685 : i32
    %dma_wait3A_687 = tpu.memref_slice %arg2[%mul3A_686] : memref<16777216xf32, #tpu.memory_space<hbm>> -> memref<16384xf32, #tpu.memory_space<hbm>>
    %dma_wait3A_688 = tpu.memref_slice %arg2[%mul3A_686] : memref<16777216xf32, #tpu.memory_space<hbm>> -> memref<16384xf32, #tpu.memory_space<hbm>>
    tpu.wait_dma2 semaphore(%arg14 : memref<!tpu.dma_semaphore, #tpu.memory_space<semaphore_mem>>) src(%dma_wait3A_688 : memref<16384xf32, #tpu.memory_space<hbm>>) dst(%arg8 : memref<16384xf32, #tpu.memory_space<vmem>>)
    %add3A_689 = arith.constant 896 : i32
    %add3A_690 = arith.addi %add3A_689, %add3A : i32
    %mul3A_691 = arith.constant 16384 : i32
    %mul3A_692 = arith.muli %add3A_690, %mul3A_691 : i32
    %dma_start3A_693 = tpu.memref_slice %arg3[%mul3A_692] : memref<16777216xf32, #tpu.memory_space<hbm>> -> memref<16384xf32, #tpu.memory_space<hbm>>
    %dma_start3A_694 = tpu.memref_slice %arg3[%mul3A_692] : memref<16777216xf32, #tpu.memory_space<hbm>> -> memref<16384xf32, #tpu.memory_space<hbm>>
    tpu.enqueue_dma source(%arg8 : memref<16384xf32, #tpu.memory_space<vmem>>) target(%dma_start3A_694 : memref<16384xf32, #tpu.memory_space<hbm>>) target_semaphore(%arg20 : memref<!tpu.dma_semaphore, #tpu.memory_space<semaphore_mem>>)
    %add3A_695 = arith.constant 928 : i32
    %add3A_696 = arith.addi %add3A_695, %add3A : i32
    %mul3A_697 = arith.constant 16384 : i32
    %mul3A_698 = arith.muli %add3A_696, %mul3A_697 : i32
    %dma_wait3A_699 = tpu.memref_slice %arg2[%mul3A_698] : memref<16777216xf32, #tpu.memory_space<hbm>> -> memref<16384xf32, #tpu.memory_space<hbm>>
    %dma_wait3A_700 = tpu.memref_slice %arg2[%mul3A_698] : memref<16777216xf32, #tpu.memory_space<hbm>> -> memref<16384xf32, #tpu.memory_space<hbm>>
    tpu.wait_dma2 semaphore(%arg15 : memref<!tpu.dma_semaphore, #tpu.memory_space<semaphore_mem>>) src(%dma_wait3A_700 : memref<16384xf32, #tpu.memory_space<hbm>>) dst(%arg9 : memref<16384xf32, #tpu.memory_space<vmem>>)
    %add3A_701 = arith.constant 928 : i32
    %add3A_702 = arith.addi %add3A_701, %add3A : i32
    %mul3A_703 = arith.constant 16384 : i32
    %mul3A_704 = arith.muli %add3A_702, %mul3A_703 : i32
    %dma_start3A_705 = tpu.memref_slice %arg3[%mul3A_704] : memref<16777216xf32, #tpu.memory_space<hbm>> -> memref<16384xf32, #tpu.memory_space<hbm>>
    %dma_start3A_706 = tpu.memref_slice %arg3[%mul3A_704] : memref<16777216xf32, #tpu.memory_space<hbm>> -> memref<16384xf32, #tpu.memory_space<hbm>>
    tpu.enqueue_dma source(%arg9 : memref<16384xf32, #tpu.memory_space<vmem>>) target(%dma_start3A_706 : memref<16384xf32, #tpu.memory_space<hbm>>) target_semaphore(%arg21 : memref<!tpu.dma_semaphore, #tpu.memory_space<semaphore_mem>>)
    %add3A_707 = arith.constant 960 : i32
    %add3A_708 = arith.addi %add3A_707, %add3A : i32
    %mul3A_709 = arith.constant 16384 : i32
    %mul3A_710 = arith.muli %add3A_708, %mul3A_709 : i32
    %dma_wait3A_711 = tpu.memref_slice %arg2[%mul3A_710] : memref<16777216xf32, #tpu.memory_space<hbm>> -> memref<16384xf32, #tpu.memory_space<hbm>>
    %dma_wait3A_712 = tpu.memref_slice %arg2[%mul3A_710] : memref<16777216xf32, #tpu.memory_space<hbm>> -> memref<16384xf32, #tpu.memory_space<hbm>>
    tpu.wait_dma2 semaphore(%arg10 : memref<!tpu.dma_semaphore, #tpu.memory_space<semaphore_mem>>) src(%dma_wait3A_712 : memref<16384xf32, #tpu.memory_space<hbm>>) dst(%arg4 : memref<16384xf32, #tpu.memory_space<vmem>>)
    %add3A_713 = arith.constant 960 : i32
    %add3A_714 = arith.addi %add3A_713, %add3A : i32
    %mul3A_715 = arith.constant 16384 : i32
    %mul3A_716 = arith.muli %add3A_714, %mul3A_715 : i32
    %dma_start3A_717 = tpu.memref_slice %arg3[%mul3A_716] : memref<16777216xf32, #tpu.memory_space<hbm>> -> memref<16384xf32, #tpu.memory_space<hbm>>
    %dma_start3A_718 = tpu.memref_slice %arg3[%mul3A_716] : memref<16777216xf32, #tpu.memory_space<hbm>> -> memref<16384xf32, #tpu.memory_space<hbm>>
    tpu.enqueue_dma source(%arg4 : memref<16384xf32, #tpu.memory_space<vmem>>) target(%dma_start3A_718 : memref<16384xf32, #tpu.memory_space<hbm>>) target_semaphore(%arg16 : memref<!tpu.dma_semaphore, #tpu.memory_space<semaphore_mem>>)
    %add3A_719 = arith.constant 992 : i32
    %add3A_720 = arith.addi %add3A_719, %add3A : i32
    %mul3A_721 = arith.constant 16384 : i32
    %mul3A_722 = arith.muli %add3A_720, %mul3A_721 : i32
    %dma_wait3A_723 = tpu.memref_slice %arg2[%mul3A_722] : memref<16777216xf32, #tpu.memory_space<hbm>> -> memref<16384xf32, #tpu.memory_space<hbm>>
    %dma_wait3A_724 = tpu.memref_slice %arg2[%mul3A_722] : memref<16777216xf32, #tpu.memory_space<hbm>> -> memref<16384xf32, #tpu.memory_space<hbm>>
    tpu.wait_dma2 semaphore(%arg11 : memref<!tpu.dma_semaphore, #tpu.memory_space<semaphore_mem>>) src(%dma_wait3A_724 : memref<16384xf32, #tpu.memory_space<hbm>>) dst(%arg5 : memref<16384xf32, #tpu.memory_space<vmem>>)
    %add3A_725 = arith.constant 992 : i32
    %add3A_726 = arith.addi %add3A_725, %add3A : i32
    %mul3A_727 = arith.constant 16384 : i32
    %mul3A_728 = arith.muli %add3A_726, %mul3A_727 : i32
    %dma_start3A_729 = tpu.memref_slice %arg3[%mul3A_728] : memref<16777216xf32, #tpu.memory_space<hbm>> -> memref<16384xf32, #tpu.memory_space<hbm>>
    %dma_start3A_730 = tpu.memref_slice %arg3[%mul3A_728] : memref<16777216xf32, #tpu.memory_space<hbm>> -> memref<16384xf32, #tpu.memory_space<hbm>>
    tpu.enqueue_dma source(%arg5 : memref<16384xf32, #tpu.memory_space<vmem>>) target(%dma_start3A_730 : memref<16384xf32, #tpu.memory_space<hbm>>) target_semaphore(%arg17 : memref<!tpu.dma_semaphore, #tpu.memory_space<semaphore_mem>>)
    %add3A_731 = arith.constant 832 : i32
    %add3A_732 = arith.addi %add3A_731, %add3A : i32
    %mul3A_733 = arith.constant 16384 : i32
    %mul3A_734 = arith.muli %add3A_732, %mul3A_733 : i32
    %dma_wait3A_735 = tpu.memref_slice %arg3[%mul3A_734] : memref<16777216xf32, #tpu.memory_space<hbm>> -> memref<16384xf32, #tpu.memory_space<hbm>>
    %dma_wait3A_736 = tpu.memref_slice %arg3[%mul3A_734] : memref<16777216xf32, #tpu.memory_space<hbm>> -> memref<16384xf32, #tpu.memory_space<hbm>>
    tpu.wait_dma2 semaphore(%arg18 : memref<!tpu.dma_semaphore, #tpu.memory_space<semaphore_mem>>) src(%arg6 : memref<16384xf32, #tpu.memory_space<vmem>>) dst(%dma_wait3A_736 : memref<16384xf32, #tpu.memory_space<hbm>>)
    %add3A_737 = arith.constant 864 : i32
    %add3A_738 = arith.addi %add3A_737, %add3A : i32
    %mul3A_739 = arith.constant 16384 : i32
    %mul3A_740 = arith.muli %add3A_738, %mul3A_739 : i32
    %dma_wait3A_741 = tpu.memref_slice %arg3[%mul3A_740] : memref<16777216xf32, #tpu.memory_space<hbm>> -> memref<16384xf32, #tpu.memory_space<hbm>>
    %dma_wait3A_742 = tpu.memref_slice %arg3[%mul3A_740] : memref<16777216xf32, #tpu.memory_space<hbm>> -> memref<16384xf32, #tpu.memory_space<hbm>>
    tpu.wait_dma2 semaphore(%arg19 : memref<!tpu.dma_semaphore, #tpu.memory_space<semaphore_mem>>) src(%arg7 : memref<16384xf32, #tpu.memory_space<vmem>>) dst(%dma_wait3A_742 : memref<16384xf32, #tpu.memory_space<hbm>>)
    %add3A_743 = arith.constant 896 : i32
    %add3A_744 = arith.addi %add3A_743, %add3A : i32
    %mul3A_745 = arith.constant 16384 : i32
    %mul3A_746 = arith.muli %add3A_744, %mul3A_745 : i32
    %dma_wait3A_747 = tpu.memref_slice %arg3[%mul3A_746] : memref<16777216xf32, #tpu.memory_space<hbm>> -> memref<16384xf32, #tpu.memory_space<hbm>>
    %dma_wait3A_748 = tpu.memref_slice %arg3[%mul3A_746] : memref<16777216xf32, #tpu.memory_space<hbm>> -> memref<16384xf32, #tpu.memory_space<hbm>>
    tpu.wait_dma2 semaphore(%arg20 : memref<!tpu.dma_semaphore, #tpu.memory_space<semaphore_mem>>) src(%arg8 : memref<16384xf32, #tpu.memory_space<vmem>>) dst(%dma_wait3A_748 : memref<16384xf32, #tpu.memory_space<hbm>>)
    %add3A_749 = arith.constant 928 : i32
    %add3A_750 = arith.addi %add3A_749, %add3A : i32
    %mul3A_751 = arith.constant 16384 : i32
    %mul3A_752 = arith.muli %add3A_750, %mul3A_751 : i32
    %dma_wait3A_753 = tpu.memref_slice %arg3[%mul3A_752] : memref<16777216xf32, #tpu.memory_space<hbm>> -> memref<16384xf32, #tpu.memory_space<hbm>>
    %dma_wait3A_754 = tpu.memref_slice %arg3[%mul3A_752] : memref<16777216xf32, #tpu.memory_space<hbm>> -> memref<16384xf32, #tpu.memory_space<hbm>>
    tpu.wait_dma2 semaphore(%arg21 : memref<!tpu.dma_semaphore, #tpu.memory_space<semaphore_mem>>) src(%arg9 : memref<16384xf32, #tpu.memory_space<vmem>>) dst(%dma_wait3A_754 : memref<16384xf32, #tpu.memory_space<hbm>>)
    %add3A_755 = arith.constant 960 : i32
    %add3A_756 = arith.addi %add3A_755, %add3A : i32
    %mul3A_757 = arith.constant 16384 : i32
    %mul3A_758 = arith.muli %add3A_756, %mul3A_757 : i32
    %dma_wait3A_759 = tpu.memref_slice %arg3[%mul3A_758] : memref<16777216xf32, #tpu.memory_space<hbm>> -> memref<16384xf32, #tpu.memory_space<hbm>>
    %dma_wait3A_760 = tpu.memref_slice %arg3[%mul3A_758] : memref<16777216xf32, #tpu.memory_space<hbm>> -> memref<16384xf32, #tpu.memory_space<hbm>>
    tpu.wait_dma2 semaphore(%arg16 : memref<!tpu.dma_semaphore, #tpu.memory_space<semaphore_mem>>) src(%arg4 : memref<16384xf32, #tpu.memory_space<vmem>>) dst(%dma_wait3A_760 : memref<16384xf32, #tpu.memory_space<hbm>>)
    %add3A_761 = arith.constant 992 : i32
    %add3A_762 = arith.addi %add3A_761, %add3A : i32
    %mul3A_763 = arith.constant 16384 : i32
    %mul3A_764 = arith.muli %add3A_762, %mul3A_763 : i32
    %dma_wait3A_765 = tpu.memref_slice %arg3[%mul3A_764] : memref<16777216xf32, #tpu.memory_space<hbm>> -> memref<16384xf32, #tpu.memory_space<hbm>>
    %dma_wait3A_766 = tpu.memref_slice %arg3[%mul3A_764] : memref<16777216xf32, #tpu.memory_space<hbm>> -> memref<16384xf32, #tpu.memory_space<hbm>>
    tpu.wait_dma2 semaphore(%arg17 : memref<!tpu.dma_semaphore, #tpu.memory_space<semaphore_mem>>) src(%arg5 : memref<16384xf32, #tpu.memory_space<vmem>>) dst(%dma_wait3A_766 : memref<16384xf32, #tpu.memory_space<hbm>>)
    return
  }
}

</mosaic_0001>

<sc_bundles>
// kernel: kernel.19.cloned.1.call-start
scs
__scs_entry_jumppad:
0x0: {  	(pc) =	sbr.rel $0x88, $3  }
0x1: {  	(tag) =	ssettag $0x0;
	lr =	simm.s32 $0x1  }
0x2: {  	[smem:$0x3FA0] =	sst lr;
	_ =	strace $0xD0000000  }
0x3: {  	_ = 	snop  }
0x4: {  	_ = 	snop  }
0x5: {  	_ = 	snop  }
0x6: {  	_ = 	snop  }
0x7: {  	_ = 	snop  }
__scs_overlays_trampoline_lowered:
0x8: {  	[smem:$0x3FAF] =	sst s0  }
0x9: {  	[smem:$0x3FB0] =	sst s1  }
0xa: {  	[smem:$0x3FB1] =	sst s2  }
0xb: {  	[smem:$0x3FB2] =	sst s3  }
0xc: {  	[smem:$0x3FB3] =	sst s4  }
0xd: {  	[smem:$0x3FB4] =	sst s5  }
0xe: {  	[smem:$0x3FB5] =	sst s6  }
0xf: {  	[smem:$0x3FB6] =	sst s7  }
0x10: {  	[smem:$0x3FB7] =	sst s8  }
0x11: {  	[smem:$0x3FB8] =	sst s9;
	s0 =	simm.s32 @!p0 $0x0  }
0x12: {  	s1 =	sld [smem:$0x3F9E];
	s0 =	simm.s32 @p0 $0x1  }
0x13: {  	[smem:$0x3FB9] =	sst s0;
	s0 =	simm.s32 @!p1 $0x0  }
0x14: {  	s2 =	sld [smem:$0x3F9D];
	s0 =	simm.s32 @p1 $0x1  }
0x15: {  	[smem:$0x3FBA] =	sst s0;
	s0 =	simm.s32 @!p2 $0x0  }
0x16: {  	s3 =	sld [smem:$0x3FDB];
	s0 =	simm.s32 @p2 $0x1  }
0x17: {  	s4 =	simm.s32 $0x1BF5;
	[smem:$0x3FBC] =	sst s0  }
0x18: {  	s0 =	sld [smem:$0x3F9F];
	_ =	swait.ge [sflag:s4], $0x0  }
0x19: {  	s7 =	sld [smem:$0x3FA0]  }
0x1a: {  	s8 =	sadd.s32 $0xFFFFE003, lr  }
0x1b: {  	s9 =	sadd.s32 $0xFFFFFEF7, lr;
	s5 =	simm.s32 $0xFFFFFFFF;
	p2 =	slt.u32 s8, $0xFFFFF086  }
0x1c: {  	p1 =	slt.u32 s9, $0xF7A;
	s5 =	simm.s32 @!p2 $0x0  }
0x1d: {  	s5 =	simm.s32 @p1 $0x1;
	p0 =	seq.s32 s7, s2  }
0x1e: {  	s7 =	smul.u32 @!p0 $0xF7A, s2;
	p2 =	seq.s32 @!p0 s5, $0x0  }
0x1f: {  	s9 =	smul.u32 $0xF7A, s1;
	s8 =	simm.s32 @!p0 $0x1BF5;
	p2 =	por !p2, p0  }
0x20: {  	[sflag:s8] =	ssyncset.s32 @!p0 $0xFFFFF086;
	s6 =	sadd.s32 @!p0 s3, s7;
	s7 =	simm.s32 @!p0 $0x108  }
0x21: {  	s3 =	sadd.s32 s3, s9;
	s6 =	sadd.s32 @!p0 $0x88, s6;
	s7 =	simm.s32 @p2 $0x1082  }
0x22: {  	[simem:s7], [sflag:s8] =	dma.local @!p0 [hbm:s6], $0xF7A  }
0x23: {  	s9 =	sor.u32 $0xD0000000, s2;
	s6 =	simm.s32 $0x108;
	_ =	swait.ge @!p0 [sflag:s8], $0x0  }
0x24: {  	s3 =	sadd.s32 $0x88, s3;
	s6 =	simm.s32 @!p1 $0x1082;
	[sflag:s4] =	ssyncset.s32 $0xFFFFF086  }
0x25: {  	[simem:s6], [sflag:s4] =	dma.local [hbm:s3], $0xF7A  }
0x26: {  	[smem:$0x3FA0] =	sst s1;
	(tag) =	ssettag s2;
	_ =	strace s9  }
0x27: {  	s1 =	sld [smem:$0x3FB0]  }
0x28: {  	s2 =	sld [smem:$0x3FB1]  }
0x29: {  	s4 =	sld [smem:$0x3FB3]  }
0x2a: {  	p0 =	seq.s32 s5, $0x0;
	s5 =	sld [smem:$0x3FB4]  }
0x2b: {  	s6 =	sld [smem:$0x3FB5]  }
0x2c: {  	s7 =	sld [smem:$0x3FB6]  }
0x2d: {  	s3 =	simm.s32 $0x108;
	s8 =	sld [smem:$0x3FB7]  }
0x2e: {  	s3 =	simm.s32 @!p0 $0x1082;
	s9 =	sld [smem:$0x3FB8]  }
0x2f: {  	lr =	sadd.s32 s0, s3;
	s0 =	sld [smem:$0x3FAF]  }
0x30: {  	s3 =	sld [smem:$0x3FB2]  }
0x31: {  	[smem:$0x3FBB] =	sst s10  }
0x32: {  	s10 =	sld [smem:$0x3FB9];
	_ =	sdelay $0x3  }
0x33: {  	p0 =	seq.s32 s10, $0x1;
	s10 =	sld [smem:$0x3FBB];
	_ =	sdelay $0x3  }
0x34: {  	[smem:$0x3FBB] =	sst s10  }
0x35: {  	s10 =	sld [smem:$0x3FBA];
	_ =	sdelay $0x3  }
0x36: {  	p1 =	seq.s32 s10, $0x1;
	s10 =	sld [smem:$0x3FBB];
	_ =	sdelay $0x3  }
0x37: {  	[smem:$0x3FBB] =	sst s10  }
0x38: {  	s10 =	sld [smem:$0x3FBC]  }
0x39: {  	_ = 	snop;
	(pc) =	sbr.ind lr, $3  }
0x3a: {  	_ = 	snop  }
0x3b: {  	_ = 	snop  }
0x3c: {  	p2 =	seq.s32 s10, $0x1;
	s10 =	sld [smem:$0x3FBB]  }
0x3d: {  	_ =	shalt  }
0x3e: {  	_ =	shalt  }
0x3f: {  	_ =	shalt  }
0x40: {  	_ =	shalt  }
0x41: {  	_ =	shalt  }
0x42: {  	_ =	shalt  }
0x43: {  	_ =	shalt  }
0x44: {  	_ =	shalt  }
0x45: {  	_ =	shalt  }
0x46: {  	_ =	shalt  }
0x47: {  	_ =	shalt  }
0x48: {  	_ =	shalt  }
0x49: {  	_ =	shalt  }
0x4a: {  	_ =	shalt  }
0x4b: {  	_ =	shalt  }
0x4c: {  	_ =	shalt  }
0x4d: {  	_ =	shalt  }
0x4e: {  	_ =	shalt  }
0x4f: {  	_ =	shalt  }
0x50: {  	_ =	shalt  }
0x51: {  	_ =	shalt  }
0x52: {  	_ =	shalt  }
0x53: {  	_ =	shalt  }
0x54: {  	_ =	shalt  }
0x55: {  	_ =	shalt  }
0x56: {  	_ =	shalt  }
0x57: {  	_ =	shalt  }
0x58: {  	_ =	shalt  }
0x59: {  	_ =	shalt  }
0x5a: {  	_ =	shalt  }
0x5b: {  	_ =	shalt  }
0x5c: {  	_ =	shalt  }
0x5d: {  	_ =	shalt  }
0x5e: {  	_ =	shalt  }
0x5f: {  	_ =	shalt  }
0x60: {  	_ =	shalt  }
0x61: {  	_ =	shalt  }
0x62: {  	_ =	shalt  }
0x63: {  	_ =	shalt  }
0x64: {  	_ =	shalt  }
0x65: {  	_ =	shalt  }
0x66: {  	_ =	shalt  }
0x67: {  	_ =	shalt  }
0x68: {  	_ =	shalt  }
0x69: {  	_ =	shalt  }
0x6a: {  	_ =	shalt  }
0x6b: {  	_ =	shalt  }
0x6c: {  	_ =	shalt  }
0x6d: {  	_ =	shalt  }
0x6e: {  	_ =	shalt  }
0x6f: {  	_ =	shalt  }
0x70: {  	_ =	shalt  }
0x71: {  	_ =	shalt  }
0x72: {  	_ =	shalt  }
0x73: {  	_ =	shalt  }
0x74: {  	_ =	shalt  }
0x75: {  	_ =	shalt  }
0x76: {  	_ =	shalt  }
0x77: {  	_ =	shalt  }
0x78: {  	_ =	shalt  }
0x79: {  	_ =	shalt  }
0x7a: {  	_ =	shalt  }
0x7b: {  	_ =	shalt  }
0x7c: {  	_ =	shalt  }
0x7d: {  	_ =	shalt  }
0x7e: {  	_ =	shalt  }
0x7f: {  	_ =	shalt  }
0x80: {  	_ =	shalt  }
0x81: {  	_ =	shalt  }
0x82: {  	_ =	shalt  }
0x83: {  	_ =	shalt  }
0x84: {  	_ =	shalt  }
0x85: {  	_ =	shalt  }
0x86: {  	_ =	shalt  }
0x87: {  	_ =	shalt  }
.Lfunc_end0:
.L_simem_size_0:
called_computation_lowered:
.L_overlay_start_0:
0x88: {  	s2 =	sld [smem:$0x3FD9]  }
0x89: {  	s3 =	sld [smem:$0x3FFE];
	_ =	sdelay $0x1  }
0x8a: {  	s1 =	srdreg.scid  }
0x8b: {  	s0 =	sand.u32 $0x1, s1  }
0x8c: {  	s18 =	sshll.u32 s0, $0xA;
	s2 =	sadd.s32 s3, s2  }
0x8d: {  	s2 =	sadd.s32 s2, s18  }
0x8e: {  	[smem:$0x3FC7] =	sst s2  }
0x8f: {  	_ = 	snop  }
0x90: {  	s2 =	sld [smem:$0x3FC9]  }
0x91: {  	s19 =	sld [smem:$0x3FD0];
	(tm) =	ssettm $0x1  }
0x92: {  	s4 =	sld [smem:$0x3FFB];
	_ =	sdelay $0x3  }
0x93: {  	_ =	strace s4  }
0x94: {  	s4 =	sld [smem:$0x3FFC];
	_ =	sdelay $0x3  }
0x95: {  	_ =	strace s4  }
0x96: {  	s4 =	sld [smem:$0x3FFD];
	_ =	sdelay $0x3  }
0x97: {  	_ =	strace s4  }
0x98: {  	_ =	strace $0x8FFFFFFF  }
0x99: {  	s20 =	sld [smem:$0x3FDB];
	_ =	sdelay $0x1  }
0x9a: {  	s5 =	simm.s32 $_scs_section_size  }
0x9b: {  	s6 =	simm.s32 $_size__tile_overlayer_lowered;
	s7 =	simm.s32 $_tile_overlayer_lowered  }
0x9c: {  	s23 =	simm.s32 $0x1BFF;
	s22 =	sshll.u32 s7, $0x1;
	s4 =	sadd.s32 s5, s20  }
0x9d: {  	s8 =	simm.s32 $0x0;
	s21 =	sshll.u32 s6, $0x1;
	s6 =	sadd.s32 s22, s4  }
0x9e: {  	[timem:s8], [sflag:s23] =	dma.local [hbm:s6], s21  }
0x9f: {  	_ =	swait.ge [sflag:s23], s21  }
0xa0: {  	s5 =	ssub.s32 $0x0, s21;
	[sflag:s23] =	ssyncset.done $0x0  }
0xa1: {  	[sflag:s23] =	ssyncadd.s32 s5;
	_ =	sdelay $0x1  }
0xa2: {  	s24 =	simm.s32 $0x1B8B  }
0xa3: {  	_ =	swait.ge [sflag:s24], $0x1  }
0xa4: {  	[sflag:s24] =	ssyncset.done $0x0  }
0xa5: {  	s25 =	simm.s32 $0x1B8E;
	[sflag:s24] =	ssyncadd.s32 $0xFFFFFFFF  }
0xa6: {  	s26 =	simm.s32 $execute0_lowered;
	[smem:$0x3FD2] =	sst s25  }
0xa7: {  	s5 =	sshll.u32 s26, $0x1;
	_ =	strace $0x80000046;
	[dreg:$0x1] =	wrdreg $0xFFFFFFFF  }
0xa8: {  	s28 =	simm.s32 $_size_execute0_lowered;
	s4 =	sadd.s32 s4, s5;
	[dreg:$0x0] =	wrdreg $0x0  }
0xa9: {  	s5 =	sshll.u32 s28, $0x1;
	[dreg:$0x2] =	wrdreg s4  }
0xaa: {  	[dreg:$0x3] =	wrdreg s5  }
0xab: {  	[dreg:$0x4] =	wrdreg $0xC0  }
0xac: {  	_ =	task [dreg:s8], $0x5FFFF  }
0xad: {  	[dreg:$0x1] =	wrdreg $0xFFFFFFFF  }
0xae: {  	[dreg:$0x0] =	wrdreg $0x60  }
0xaf: {  	[dreg:$0x2] =	wrdreg s2  }
0xb0: {  	[dreg:$0x3] =	wrdreg s19  }
0xb1: {  	[dreg:$0x4] =	wrdreg $0x9  }
0xb2: {  	_ =	task.clear_ibuf [dreg:s8], $0x5FFFF;
	_ =	strace $0x90000046  }
0xb3: {  	s29 =	simm.s32 $0x9;
	_ =	strace $0x80000048  }
0xb4: {  	_ =	swait.ge [sflag:s29], $0x1  }
0xb5: {  	[sflag:s29] =	ssyncadd.s32 $0xFFFFFFFF  }
0xb6: {  	_ =	strace $0x90000048  }
0xb7: {  	_ =	sfence  }
0xb8: {  	s30 =	sld [smem:$0x0];
	_ =	sdelay $0x2  }
0xb9: {  	s31 =	sshll.u32 s1, $0xD;
	s1 =	sshrl.u32 s1, $0x2  }
0xba: {  	s3 =	sand.u32 $0x4000, s31;
	s1 =	sadd.s32 s1, s30  }
0xbb: {  	s0 =	sor.u32 s3, s0;
	s1 =	sshll.u32 s1, $0x11  }
0xbc: {  	s0 =	sor.u32 s1, s0  }
0xbd: {  	s0 =	sadd.s32 $0x8F2B, s0  }
0xbe: {  	[sflag:s0] =	ssyncadd.remote.s32 $0x1  }
0xbf: {  	_ =	sfence.sel $0xFFFF  }
0xc0: {  	[dreg:$0x0] =	wrdreg $0xFFFFFFFF;
	(pc) =	sbr.abs _section_cstart, $3  }
0xc1: {  	[dreg:$0x1] =	wrdreg $0xFFFFFFFF  }
0xc2: {  	_ =	task.clear_ibuf [dreg:s8], $0x2FFFF;
	_ =	strace $0x9FFFFFFF  }
0xc3: {  	(tm) =	ssettm $0x7FFFFFFF  }
tec
execute0_lowered:
.L_overlay_start_1:
0x0: {  	(tag) =	ssettag $0x1  }
0x1: {  	s1 =	srdreg.scid  }
0x2: {  	s3 =	rddreg [dreg:$0x0];
	s4 =	stileid.u32;
	s5 =	sand.u32 $0x1, s1  }
0x3: {  	s2 =	simm.s32 $0x0;
	s17 =	sshll.u32 s4, $0xC;
	s18 =	sshll.u32 s5, $0xB  }
0x4: {  	[smem:$0x7FF] =	sst s2;
	s4 =	sor.u32 s18, s17  }
0x5: {  	s0 =	rddreg [dreg:$0x1];
	_ =	strace $0x80000047;
	s1 =	sadd.s32 s3, s4  }
0x6: {  	s6 =	sor.u32 $0x10000, s4;
	s24 =	sadd.s32 s0, s4;
	[dreg:$0x3] =	wrdreg s1  }
0x7: {  	s7 =	sor.u32 $0x20000, s4;
	s19 =	sadd.s32 s3, s6;
	[dreg:$0x9] =	wrdreg s24  }
0x8: {  	s8 =	sor.u32 $0x30000, s4;
	s20 =	sadd.s32 s3, s7;
	[dreg:$0x4] =	wrdreg s19  }
0x9: {  	s9 =	sor.u32 $0x40000, s4;
	s21 =	sadd.s32 s3, s8;
	[dreg:$0x5] =	wrdreg s20  }
0xa: {  	s10 =	sor.u32 $0x50000, s4;
	s22 =	sadd.s32 s3, s9;
	[dreg:$0x6] =	wrdreg s21  }
0xb: {  	s23 =	sadd.s32 s3, s10;
	[dreg:$0x7] =	wrdreg s22  }
0xc: {  	s26 =	sor.u32 $0x60000, s4;
	s25 =	sadd.s32 s0, s6;
	[dreg:$0x8] =	wrdreg s23  }
0xd: {  	s11 =	sadd.s32 s3, s26;
	[dreg:$0xa] =	wrdreg s25  }
0xe: {  	s13 =	sor.u32 $0x70000, s4;
	s12 =	sadd.s32 s0, s7;
	[dreg:$0xb] =	wrdreg s11  }
0xf: {  	s14 =	sadd.s32 s3, s13;
	[dreg:$0xc] =	wrdreg s12  }
0x10: {  	s16 =	sor.u32 $0x80000, s4;
	s15 =	sadd.s32 s0, s8;
	[dreg:$0xd] =	wrdreg s14  }
0x11: {  	s17 =	sadd.s32 s3, s16;
	[dreg:$0xe] =	wrdreg s15  }
0x12: {  	s18 =	sadd.s32 s0, s9;
	[dreg:$0xf] =	wrdreg s17  }
0x13: {  	s24 =	sadd.s32 s0, s26;
	[dreg:$0x10] =	wrdreg s18  }
0x14: {  	s7 =	sadd.s32 s0, s13;
	[dreg:$0x14] =	wrdreg s24  }
0x15: {  	s13 =	sadd.s32 s0, s16;
	[dreg:$0x16] =	wrdreg s7  }
0x16: {  	[dreg:$0x18] =	wrdreg s13  }
0x17: {  	s19 =	sor.u32 $0x90000, s4;
	s21 =	sadd.s32 s0, s10;
	s1 =	rddreg [dreg:$0x3]  }
0x18: {  	s22 =	sor.u32 $0xA0000, s4;
	s20 =	sadd.s32 s3, s19;
	[dreg:$0x12] =	wrdreg s21  }
0x19: {  	s25 =	sor.u32 $0xB0000, s4;
	s23 =	sadd.s32 s3, s22;
	[dreg:$0x11] =	wrdreg s20  }
0x1a: {  	s11 =	sor.u32 $0xC0000, s4;
	s26 =	sadd.s32 s3, s25;
	[dreg:$0x13] =	wrdreg s23  }
0x1b: {  	s14 =	sor.u32 $0xD0000, s4;
	s12 =	sadd.s32 s3, s11;
	[dreg:$0x15] =	wrdreg s26  }
0x1c: {  	s31 =	simm.s32 $0x3;
	s15 =	sadd.s32 s3, s14;
	[dreg:$0x17] =	wrdreg s12  }
0x1d: {  	s17 =	sor.u32 $0xE0000, s4;
	s16 =	sadd.s32 s0, s19;
	[dreg:$0x19] =	wrdreg s15  }
0x1e: {  	s29 =	simm.s32 $0x4;
	s18 =	sadd.s32 s3, s17;
	[dreg:$0x1a] =	wrdreg s16  }
0x1f: {  	p0 =	por $0x0, $0x0;
	s19 =	sadd.s32 s0, s22;
	[dreg:$0x1b] =	wrdreg s18  }
0x20: {  	s30 =	simm.s32 $0x5;
	s22 =	sadd.s32 s0, s25;
	[dreg:$0x1c] =	wrdreg s19  }
0x21: {  	s28 =	simm.s32 $0x6;
	s25 =	sadd.s32 s0, s11;
	[dreg:$0x1e] =	wrdreg s22  }
0x22: {  	s13 =	sor.u32 $0x120000, s4;
	[smem:$0x7E6] =	sst s25;
	s12 =	sadd.s32 s0, s14  }
0x23: {  	s5 =	ssub.s32 $0x2, s5;
	s14 =	sadd.s32 s3, s13;
	[smem:$0x7E8] =	sst s12  }
0x24: {  	s20 =	sor.u32 $0xF0000, s4;
	s15 =	sadd.s32 s0, s17;
	[smem:$0x7E9] =	sst s14  }
0x25: {  	s23 =	sor.u32 $0x100000, s4;
	s21 =	sadd.s32 s3, s20;
	[smem:$0x7EA] =	sst s15  }
0x26: {  	s26 =	sor.u32 $0x110000, s4;
	s24 =	sadd.s32 s3, s23;
	[dreg:$0x1d] =	wrdreg s21  }
0x27: {  	s16 =	sor.u32 $0x130000, s4;
	s11 =	sadd.s32 s3, s26;
	[dreg:$0x1f] =	wrdreg s24  }
0x28: {  	s6 =	simm.s32 $0x4000;
	s17 =	sadd.s32 s3, s16;
	[smem:$0x7E7] =	sst s11  }
0x29: {  	s19 =	sor.u32 $0x140000, s4;
	s18 =	sadd.s32 s0, s20;
	[smem:$0x7EB] =	sst s17  }
0x2a: {  	s10 =	simm.s32 $0x2;
	s20 =	sadd.s32 s3, s19;
	[smem:$0x7EC] =	sst s18  }
0x2b: {  	s22 =	sor.u32 $0x150000, s4;
	s14 =	sadd.s32 s0, s16;
	[smem:$0x7ED] =	sst s20  }
0x2c: {  	s25 =	sor.u32 $0x160000, s4;
	s21 =	sadd.s32 s0, s23;
	[smem:$0x7F4] =	sst s14  }
0x2d: {  	s12 =	sor.u32 $0x170000, s4;
	s23 =	sadd.s32 s3, s22;
	[smem:$0x7EE] =	sst s21  }
0x2e: {  	s15 =	sor.u32 $0x180000, s4;
	s24 =	sadd.s32 s0, s26;
	[smem:$0x7EF] =	sst s23  }
0x2f: {  	s26 =	sadd.s32 s3, s25;
	s11 =	sadd.s32 s0, s13;
	[smem:$0x7F0] =	sst s24  }
0x30: {  	s13 =	sadd.s32 s3, s12;
	s16 =	sadd.s32 s3, s15;
	[smem:$0x7F1] =	sst s26  }
0x31: {  	s17 =	sadd.s32 s0, s19;
	s18 =	sor.u32 $0x190000, s4;
	[smem:$0x7F2] =	sst s11  }
0x32: {  	s20 =	sadd.s32 s0, s22;
	s8 =	sadd.s32 s0, s12;
	[smem:$0x7F3] =	sst s13  }
0x33: {  	s12 =	sor.u32 $0x1C0000, s4;
	s14 =	sor.u32 $0x1D0000, s4;
	[smem:$0x7F5] =	sst s16  }
0x34: {  	[smem:$0x7F6] =	sst s17;
	s19 =	sadd.s32 s3, s18;
	s21 =	sor.u32 $0x1A0000, s4  }
0x35: {  	s11 =	sshrl.u32 s5, $0x1;
	[smem:$0x7F8] =	sst s20;
	s24 =	sadd.s32 s0, s25  }
0x36: {  	s25 =	sor.u32 $0x1B0000, s4;
	[smem:$0x7FC] =	sst s8;
	s13 =	sadd.s32 s3, s12  }
0x37: {  	s26 =	sadd.s32 s0, s15;
	s15 =	sor.u32 $0x1E0000, s4;
	s4 =	sor.u32 $0x1F0000, s4  }
0x38: {  	s9 =	sadd.s32 s0, s12;
	s8 =	sadd.s32 s0, s14;
	s17 =	simm.s32 $0x14000  }
0x39: {  	s12 =	simm.s32 $0xB;
	[smem:$0x7F7] =	sst s19;
	s23 =	sadd.s32 s3, s21  }
0x3a: {  	s11 =	ssub.s32 s5, s11;
	[smem:$0x7FA] =	sst s24;
	s5 =	sadd.s32 s3, s25  }
0x3b: {  	[smem:$0x7FD] =	sst s13;
	s24 =	sadd.s32 s3, s14;
	s22 =	sadd.s32 s3, s15  }
0x3c: {  	s20 =	sadd.s32 s0, s21;
	s13 =	sadd.s32 s0, s25;
	s16 =	smax.u32 s11, $0x1  }
0x3d: {  	s7 =	sadd.s32 s0, s15;
	s25 =	simm.s32 $0x8000;
	p1 =	sne.s32 s16, $0x1  }
.Ltmp0:
0x3e: {  	s21 =	simm.s32 $0xC000;
	s19 =	simm.s32 $0x10000;
	(pc) =	sbr.rel @!p1 .LBB2_3-.Ltmp0, $4  }
0x3f: {  	s14 =	simm.s32 $0x1;
	s15 =	simm.s32 $0xA;
	[smem:$0x7F9] =	sst s23  }
0x40: {  	[smem:$0x7FB] =	sst s5;
	s23 =	sadd.s32 s0, s18;
	s18 =	sadd.s32 s3, s4  }
0x41: {  	s5 =	sadd.s32 s0, s4;
	s4 =	simm.s32 $0x7;
	s3 =	simm.s32 $0x8  }
0x42: {  	s11 =	simm.s32 $0xC;
	s0 =	sadd.s32 $0xFFFFFFFF, s16;
	s16 =	simm.s32 $0x9  }
0x43: {  	[smem:$0x7E5] =	sst s0  }
0x44: {  	[tilespmem:s2], [sflag:$0x1] =	stream.linear.gather [hbm4b:s1+s2], $0x4000, $0x38;
	[tilespmem:$0x18000] =	vst v63  }
0x45: {  	s0 =	rddreg [dreg:$0x4]  }
0x46: {  	[tilespmem:s6], [sflag:$0x2] =	stream.linear.gather [hbm4b:s0+s2], $0x4000, $0x38;
	[tilespmem:$0x18000] =	vst v63  }
0x47: {  	s1 =	rddreg [dreg:$0x5]  }
0x48: {  	[tilespmem:s25], [sflag:$0x3] =	stream.linear.gather [hbm4b:s1+s2], $0x4000, $0x38;
	[tilespmem:$0x18000] =	vst v63  }
0x49: {  	s0 =	rddreg [dreg:$0x6]  }
0x4a: {  	[tilespmem:s21], [sflag:$0x4] =	stream.linear.gather [hbm4b:s0+s2], $0x4000, $0x38;
	[tilespmem:$0x18000] =	vst v63  }
0x4b: {  	s1 =	rddreg [dreg:$0x7]  }
0x4c: {  	[tilespmem:s19], [sflag:$0x5] =	stream.linear.gather [hbm4b:s1+s2], $0x4000, $0x38;
	[tilespmem:$0x18000] =	vst v63  }
0x4d: {  	s0 =	rddreg [dreg:$0x8]  }
0x4e: {  	[tilespmem:s17], [sflag:$0x6] =	stream.linear.gather [hbm4b:s0+s2], $0x4000, $0x38;
	[tilespmem:$0x18000] =	vst v63  }
0x4f: {  	_ =	swait.ge [sflag:s14], $0x4000  }
0x50: {  	[sflag:s14] =	ssyncset.done $0x0  }
0x51: {  	s1 =	rddreg [dreg:$0x9];
	[sflag:s14] =	ssyncadd.s32 $0xFFFFC000  }
0x52: {  	[hbm4b:s1+s2] =	stream.linear.scatter [tilespmem:s2], [sflag:$0x7], $0x4000, $0x38;
	[tilespmem:$0x18000] =	vst v63  }
0x53: {  	_ =	swait.ge [sflag:s10], $0x4000  }
0x54: {  	[sflag:s10] =	ssyncset.done $0x0  }
0x55: {  	s1 =	rddreg [dreg:$0xa];
	[sflag:s10] =	ssyncadd.s32 $0xFFFFC000  }
0x56: {  	[hbm4b:s1+s2] =	stream.linear.scatter [tilespmem:s6], [sflag:$0x8], $0x4000, $0x38;
	[tilespmem:$0x18000] =	vst v63  }
0x57: {  	_ =	swait.ge [sflag:s4], $0x4000  }
0x58: {  	[sflag:s4] =	ssyncset.done $0x0  }
0x59: {  	s1 =	rddreg [dreg:$0xb];
	[sflag:s4] =	ssyncadd.s32 $0xFFFFC000  }
0x5a: {  	[tilespmem:s2], [sflag:$0x1] =	stream.linear.gather [hbm4b:s1+s2], $0x4000, $0x38;
	[tilespmem:$0x18000] =	vst v63  }
0x5b: {  	_ =	swait.ge [sflag:s31], $0x4000  }
0x5c: {  	[sflag:s31] =	ssyncset.done $0x0  }
0x5d: {  	s1 =	rddreg [dreg:$0xc];
	[sflag:s31] =	ssyncadd.s32 $0xFFFFC000  }
0x5e: {  	[hbm4b:s1+s2] =	stream.linear.scatter [tilespmem:s25], [sflag:$0x9], $0x4000, $0x38;
	[tilespmem:$0x18000] =	vst v63  }
0x5f: {  	_ =	swait.ge [sflag:s3], $0x4000  }
0x60: {  	[sflag:s3] =	ssyncset.done $0x0  }
0x61: {  	s1 =	rddreg [dreg:$0xd];
	[sflag:s3] =	ssyncadd.s32 $0xFFFFC000  }
0x62: {  	[tilespmem:s6], [sflag:$0x2] =	stream.linear.gather [hbm4b:s1+s2], $0x4000, $0x38;
	[tilespmem:$0x18000] =	vst v63  }
0x63: {  	_ =	swait.ge [sflag:s29], $0x4000  }
0x64: {  	[sflag:s29] =	ssyncset.done $0x0  }
0x65: {  	s1 =	rddreg [dreg:$0xe];
	[sflag:s29] =	ssyncadd.s32 $0xFFFFC000  }
0x66: {  	[hbm4b:s1+s2] =	stream.linear.scatter [tilespmem:s21], [sflag:$0xA], $0x4000, $0x38;
	[tilespmem:$0x18000] =	vst v63  }
0x67: {  	_ =	swait.ge [sflag:s16], $0x4000  }
0x68: {  	[sflag:s16] =	ssyncset.done $0x0  }
0x69: {  	s1 =	rddreg [dreg:$0xf];
	[sflag:s16] =	ssyncadd.s32 $0xFFFFC000  }
0x6a: {  	[tilespmem:s25], [sflag:$0x3] =	stream.linear.gather [hbm4b:s1+s2], $0x4000, $0x38;
	[tilespmem:$0x18000] =	vst v63  }
0x6b: {  	_ =	swait.ge [sflag:s30], $0x4000  }
0x6c: {  	[sflag:s30] =	ssyncset.done $0x0  }
0x6d: {  	s1 =	rddreg [dreg:$0x10];
	[sflag:s30] =	ssyncadd.s32 $0xFFFFC000  }
0x6e: {  	[hbm4b:s1+s2] =	stream.linear.scatter [tilespmem:s19], [sflag:$0xB], $0x4000, $0x38;
	[tilespmem:$0x18000] =	vst v63  }
0x6f: {  	_ =	swait.ge [sflag:s15], $0x4000  }
0x70: {  	[sflag:s15] =	ssyncset.done $0x0  }
0x71: {  	s1 =	rddreg [dreg:$0x11];
	[sflag:s15] =	ssyncadd.s32 $0xFFFFC000  }
0x72: {  	[tilespmem:s21], [sflag:$0x4] =	stream.linear.gather [hbm4b:s1+s2], $0x4000, $0x38;
	[tilespmem:$0x18000] =	vst v63  }
0x73: {  	_ =	swait.ge [sflag:s28], $0x4000  }
0x74: {  	[sflag:s28] =	ssyncset.done $0x0  }
0x75: {  	s1 =	rddreg [dreg:$0x12];
	[sflag:s28] =	ssyncadd.s32 $0xFFFFC000  }
0x76: {  	[hbm4b:s1+s2] =	stream.linear.scatter [tilespmem:s17], [sflag:$0xC], $0x4000, $0x38;
	[tilespmem:$0x18000] =	vst v63  }
0x77: {  	_ =	swait.ge [sflag:s12], $0x4000  }
0x78: {  	[sflag:s12] =	ssyncset.done $0x0  }
0x79: {  	s1 =	rddreg [dreg:$0x13];
	[sflag:s12] =	ssyncadd.s32 $0xFFFFC000  }
0x7a: {  	[tilespmem:s19], [sflag:$0x5] =	stream.linear.gather [hbm4b:s1+s2], $0x4000, $0x38;
	[tilespmem:$0x18000] =	vst v63  }
0x7b: {  	_ =	swait.ge [sflag:s14], $0x4000  }
0x7c: {  	[sflag:s14] =	ssyncset.done $0x0  }
0x7d: {  	s1 =	rddreg [dreg:$0x14];
	[sflag:s14] =	ssyncadd.s32 $0xFFFFC000  }
0x7e: {  	[hbm4b:s1+s2] =	stream.linear.scatter [tilespmem:s2], [sflag:$0x7], $0x4000, $0x38;
	[tilespmem:$0x18000] =	vst v63  }
0x7f: {  	_ =	swait.ge [sflag:s11], $0x4000  }
0x80: {  	[sflag:s11] =	ssyncset.done $0x0  }
0x81: {  	s1 =	rddreg [dreg:$0x15];
	[sflag:s11] =	ssyncadd.s32 $0xFFFFC000  }
0x82: {  	[tilespmem:s17], [sflag:$0x6] =	stream.linear.gather [hbm4b:s1+s2], $0x4000, $0x38;
	[tilespmem:$0x18000] =	vst v63  }
0x83: {  	_ =	swait.ge [sflag:s10], $0x4000  }
0x84: {  	[sflag:s10] =	ssyncset.done $0x0  }
0x85: {  	s1 =	rddreg [dreg:$0x16];
	[sflag:s10] =	ssyncadd.s32 $0xFFFFC000  }
0x86: {  	[hbm4b:s1+s2] =	stream.linear.scatter [tilespmem:s6], [sflag:$0x8], $0x4000, $0x38;
	[tilespmem:$0x18000] =	vst v63  }
0x87: {  	_ =	swait.ge [sflag:s4], $0x4000  }
0x88: {  	[sflag:s4] =	ssyncset.done $0x0  }
0x89: {  	s1 =	rddreg [dreg:$0x17];
	[sflag:s4] =	ssyncadd.s32 $0xFFFFC000  }
0x8a: {  	[tilespmem:s2], [sflag:$0x1] =	stream.linear.gather [hbm4b:s1+s2], $0x4000, $0x38;
	[tilespmem:$0x18000] =	vst v63  }
0x8b: {  	_ =	swait.ge [sflag:s31], $0x4000  }
0x8c: {  	[sflag:s31] =	ssyncset.done $0x0  }
0x8d: {  	s1 =	rddreg [dreg:$0x18];
	[sflag:s31] =	ssyncadd.s32 $0xFFFFC000  }
0x8e: {  	[hbm4b:s1+s2] =	stream.linear.scatter [tilespmem:s25], [sflag:$0x9], $0x4000, $0x38;
	[tilespmem:$0x18000] =	vst v63  }
0x8f: {  	_ =	swait.ge [sflag:s3], $0x4000  }
0x90: {  	[sflag:s3] =	ssyncset.done $0x0  }
0x91: {  	s1 =	rddreg [dreg:$0x19];
	[sflag:s3] =	ssyncadd.s32 $0xFFFFC000  }
0x92: {  	[tilespmem:s6], [sflag:$0x2] =	stream.linear.gather [hbm4b:s1+s2], $0x4000, $0x38;
	[tilespmem:$0x18000] =	vst v63  }
0x93: {  	_ =	swait.ge [sflag:s29], $0x4000  }
0x94: {  	[sflag:s29] =	ssyncset.done $0x0  }
0x95: {  	s1 =	rddreg [dreg:$0x1a];
	[sflag:s29] =	ssyncadd.s32 $0xFFFFC000  }
0x96: {  	[hbm4b:s1+s2] =	stream.linear.scatter [tilespmem:s21], [sflag:$0xA], $0x4000, $0x38;
	[tilespmem:$0x18000] =	vst v63  }
0x97: {  	_ =	swait.ge [sflag:s16], $0x4000  }
0x98: {  	[sflag:s16] =	ssyncset.done $0x0  }
0x99: {  	s1 =	rddreg [dreg:$0x1b];
	[sflag:s16] =	ssyncadd.s32 $0xFFFFC000  }
0x9a: {  	[tilespmem:s25], [sflag:$0x3] =	stream.linear.gather [hbm4b:s1+s2], $0x4000, $0x38;
	[tilespmem:$0x18000] =	vst v63  }
0x9b: {  	_ =	swait.ge [sflag:s30], $0x4000  }
0x9c: {  	[sflag:s30] =	ssyncset.done $0x0  }
0x9d: {  	s1 =	rddreg [dreg:$0x1c];
	[sflag:s30] =	ssyncadd.s32 $0xFFFFC000  }
0x9e: {  	[hbm4b:s1+s2] =	stream.linear.scatter [tilespmem:s19], [sflag:$0xB], $0x4000, $0x38;
	[tilespmem:$0x18000] =	vst v63  }
0x9f: {  	_ =	swait.ge [sflag:s15], $0x4000  }
0xa0: {  	[sflag:s15] =	ssyncset.done $0x0  }
0xa1: {  	s1 =	rddreg [dreg:$0x1d];
	[sflag:s15] =	ssyncadd.s32 $0xFFFFC000  }
0xa2: {  	[tilespmem:s21], [sflag:$0x4] =	stream.linear.gather [hbm4b:s1+s2], $0x4000, $0x38;
	[tilespmem:$0x18000] =	vst v63  }
0xa3: {  	_ =	swait.ge [sflag:s28], $0x4000  }
0xa4: {  	[sflag:s28] =	ssyncset.done $0x0  }
0xa5: {  	s1 =	rddreg [dreg:$0x1e];
	[sflag:s28] =	ssyncadd.s32 $0xFFFFC000  }
0xa6: {  	[hbm4b:s1+s2] =	stream.linear.scatter [tilespmem:s17], [sflag:$0xC], $0x4000, $0x38;
	[tilespmem:$0x18000] =	vst v63  }
0xa7: {  	_ =	swait.ge [sflag:s12], $0x4000  }
0xa8: {  	[sflag:s12] =	ssyncset.done $0x0  }
0xa9: {  	s1 =	rddreg [dreg:$0x1f];
	[sflag:s12] =	ssyncadd.s32 $0xFFFFC000  }
0xaa: {  	[tilespmem:s19], [sflag:$0x5] =	stream.linear.gather [hbm4b:s1+s2], $0x4000, $0x38;
	[tilespmem:$0x18000] =	vst v63  }
0xab: {  	_ =	swait.ge [sflag:s14], $0x4000  }
0xac: {  	s1 =	sld [smem:$0x7E6]  }
0xad: {  	[sflag:s14] =	ssyncset.done $0x0  }
0xae: {  	[sflag:s14] =	ssyncadd.s32 $0xFFFFC000  }
0xaf: {  	[hbm4b:s1+s2] =	stream.linear.scatter [tilespmem:s2], [sflag:$0x7], $0x4000, $0x38;
	[tilespmem:$0x18000] =	vst v63  }
0xb0: {  	_ =	swait.ge [sflag:s11], $0x4000  }
0xb1: {  	s1 =	sld [smem:$0x7E7]  }
0xb2: {  	[sflag:s11] =	ssyncset.done $0x0  }
0xb3: {  	[sflag:s11] =	ssyncadd.s32 $0xFFFFC000  }
0xb4: {  	[tilespmem:s17], [sflag:$0x6] =	stream.linear.gather [hbm4b:s1+s2], $0x4000, $0x38;
	[tilespmem:$0x18000] =	vst v63  }
0xb5: {  	_ =	swait.ge [sflag:s10], $0x4000  }
0xb6: {  	s1 =	sld [smem:$0x7E8]  }
0xb7: {  	[sflag:s10] =	ssyncset.done $0x0  }
0xb8: {  	[sflag:s10] =	ssyncadd.s32 $0xFFFFC000  }
0xb9: {  	[hbm4b:s1+s2] =	stream.linear.scatter [tilespmem:s6], [sflag:$0x8], $0x4000, $0x38;
	[tilespmem:$0x18000] =	vst v63  }
0xba: {  	_ =	swait.ge [sflag:s4], $0x4000  }
0xbb: {  	s1 =	sld [smem:$0x7E9]  }
0xbc: {  	[sflag:s4] =	ssyncset.done $0x0  }
0xbd: {  	[sflag:s4] =	ssyncadd.s32 $0xFFFFC000  }
0xbe: {  	[tilespmem:s2], [sflag:$0x1] =	stream.linear.gather [hbm4b:s1+s2], $0x4000, $0x38;
	[tilespmem:$0x18000] =	vst v63  }
0xbf: {  	_ =	swait.ge [sflag:s31], $0x4000  }
0xc0: {  	s1 =	sld [smem:$0x7EA]  }
0xc1: {  	[sflag:s31] =	ssyncset.done $0x0  }
0xc2: {  	[sflag:s31] =	ssyncadd.s32 $0xFFFFC000  }
0xc3: {  	[hbm4b:s1+s2] =	stream.linear.scatter [tilespmem:s25], [sflag:$0x9], $0x4000, $0x38;
	[tilespmem:$0x18000] =	vst v63  }
0xc4: {  	_ =	swait.ge [sflag:s3], $0x4000  }
0xc5: {  	s1 =	sld [smem:$0x7EB]  }
0xc6: {  	[sflag:s3] =	ssyncset.done $0x0  }
0xc7: {  	[sflag:s3] =	ssyncadd.s32 $0xFFFFC000  }
0xc8: {  	[tilespmem:s6], [sflag:$0x2] =	stream.linear.gather [hbm4b:s1+s2], $0x4000, $0x38;
	[tilespmem:$0x18000] =	vst v63  }
0xc9: {  	_ =	swait.ge [sflag:s29], $0x4000  }
0xca: {  	s1 =	sld [smem:$0x7EC]  }
0xcb: {  	[sflag:s29] =	ssyncset.done $0x0  }
0xcc: {  	[sflag:s29] =	ssyncadd.s32 $0xFFFFC000  }
0xcd: {  	[hbm4b:s1+s2] =	stream.linear.scatter [tilespmem:s21], [sflag:$0xA], $0x4000, $0x38;
	[tilespmem:$0x18000] =	vst v63  }
0xce: {  	_ =	swait.ge [sflag:s16], $0x4000  }
0xcf: {  	s1 =	sld [smem:$0x7ED]  }
0xd0: {  	[sflag:s16] =	ssyncset.done $0x0  }
0xd1: {  	[sflag:s16] =	ssyncadd.s32 $0xFFFFC000  }
0xd2: {  	[tilespmem:s25], [sflag:$0x3] =	stream.linear.gather [hbm4b:s1+s2], $0x4000, $0x38;
	[tilespmem:$0x18000] =	vst v63  }
0xd3: {  	_ =	swait.ge [sflag:s30], $0x4000  }
0xd4: {  	s1 =	sld [smem:$0x7EE]  }
0xd5: {  	[sflag:s30] =	ssyncset.done $0x0  }
0xd6: {  	[sflag:s30] =	ssyncadd.s32 $0xFFFFC000  }
0xd7: {  	[hbm4b:s1+s2] =	stream.linear.scatter [tilespmem:s19], [sflag:$0xB], $0x4000, $0x38;
	[tilespmem:$0x18000] =	vst v63  }
0xd8: {  	_ =	swait.ge [sflag:s15], $0x4000  }
0xd9: {  	s1 =	sld [smem:$0x7EF]  }
0xda: {  	[sflag:s15] =	ssyncset.done $0x0  }
0xdb: {  	[sflag:s15] =	ssyncadd.s32 $0xFFFFC000  }
0xdc: {  	[tilespmem:s21], [sflag:$0x4] =	stream.linear.gather [hbm4b:s1+s2], $0x4000, $0x38;
	[tilespmem:$0x18000] =	vst v63  }
0xdd: {  	_ =	swait.ge [sflag:s28], $0x4000  }
0xde: {  	s1 =	sld [smem:$0x7F0]  }
0xdf: {  	[sflag:s28] =	ssyncset.done $0x0  }
0xe0: {  	[sflag:s28] =	ssyncadd.s32 $0xFFFFC000  }
0xe1: {  	[hbm4b:s1+s2] =	stream.linear.scatter [tilespmem:s17], [sflag:$0xC], $0x4000, $0x38;
	[tilespmem:$0x18000] =	vst v63  }
0xe2: {  	_ =	swait.ge [sflag:s12], $0x4000  }
0xe3: {  	s1 =	sld [smem:$0x7F1]  }
0xe4: {  	[sflag:s12] =	ssyncset.done $0x0  }
0xe5: {  	[sflag:s12] =	ssyncadd.s32 $0xFFFFC000  }
0xe6: {  	[tilespmem:s19], [sflag:$0x5] =	stream.linear.gather [hbm4b:s1+s2], $0x4000, $0x38;
	[tilespmem:$0x18000] =	vst v63  }
0xe7: {  	_ =	swait.ge [sflag:s14], $0x4000  }
0xe8: {  	s1 =	sld [smem:$0x7F2]  }
0xe9: {  	[sflag:s14] =	ssyncset.done $0x0  }
0xea: {  	[sflag:s14] =	ssyncadd.s32 $0xFFFFC000  }
0xeb: {  	[hbm4b:s1+s2] =	stream.linear.scatter [tilespmem:s2], [sflag:$0x7], $0x4000, $0x38;
	[tilespmem:$0x18000] =	vst v63  }
0xec: {  	_ =	swait.ge [sflag:s11], $0x4000  }
0xed: {  	s1 =	sld [smem:$0x7F3]  }
0xee: {  	[sflag:s11] =	ssyncset.done $0x0  }
0xef: {  	[sflag:s11] =	ssyncadd.s32 $0xFFFFC000  }
0xf0: {  	[tilespmem:s17], [sflag:$0x6] =	stream.linear.gather [hbm4b:s1+s2], $0x4000, $0x38;
	[tilespmem:$0x18000] =	vst v63  }
0xf1: {  	_ =	swait.ge [sflag:s10], $0x4000  }
0xf2: {  	s1 =	sld [smem:$0x7F4]  }
0xf3: {  	[sflag:s10] =	ssyncset.done $0x0  }
0xf4: {  	[sflag:s10] =	ssyncadd.s32 $0xFFFFC000  }
0xf5: {  	[hbm4b:s1+s2] =	stream.linear.scatter [tilespmem:s6], [sflag:$0x8], $0x4000, $0x38;
	[tilespmem:$0x18000] =	vst v63  }
0xf6: {  	_ =	swait.ge [sflag:s4], $0x4000  }
0xf7: {  	s1 =	sld [smem:$0x7F5]  }
0xf8: {  	[sflag:s4] =	ssyncset.done $0x0  }
0xf9: {  	[sflag:s4] =	ssyncadd.s32 $0xFFFFC000  }
0xfa: {  	[tilespmem:s2], [sflag:$0x1] =	stream.linear.gather [hbm4b:s1+s2], $0x4000, $0x38;
	[tilespmem:$0x18000] =	vst v63  }
0xfb: {  	_ =	swait.ge [sflag:s31], $0x4000  }
0xfc: {  	s1 =	sld [smem:$0x7F6]  }
0xfd: {  	[sflag:s31] =	ssyncset.done $0x0  }
0xfe: {  	[sflag:s31] =	ssyncadd.s32 $0xFFFFC000  }
0xff: {  	[hbm4b:s1+s2] =	stream.linear.scatter [tilespmem:s25], [sflag:$0x9], $0x4000, $0x38;
	[tilespmem:$0x18000] =	vst v63  }
0x100: {  	_ =	swait.ge [sflag:s3], $0x4000  }
0x101: {  	s1 =	sld [smem:$0x7F7]  }
0x102: {  	[sflag:s3] =	ssyncset.done $0x0  }
0x103: {  	[sflag:s3] =	ssyncadd.s32 $0xFFFFC000  }
0x104: {  	[tilespmem:s6], [sflag:$0x2] =	stream.linear.gather [hbm4b:s1+s2], $0x4000, $0x38;
	[tilespmem:$0x18000] =	vst v63  }
0x105: {  	_ =	swait.ge [sflag:s29], $0x4000  }
0x106: {  	s1 =	sld [smem:$0x7F8]  }
0x107: {  	[sflag:s29] =	ssyncset.done $0x0  }
0x108: {  	[sflag:s29] =	ssyncadd.s32 $0xFFFFC000  }
0x109: {  	[hbm4b:s1+s2] =	stream.linear.scatter [tilespmem:s21], [sflag:$0xA], $0x4000, $0x38;
	[tilespmem:$0x18000] =	vst v63  }
0x10a: {  	_ =	swait.ge [sflag:s16], $0x4000  }
0x10b: {  	s1 =	sld [smem:$0x7F9]  }
0x10c: {  	[sflag:s16] =	ssyncset.done $0x0  }
0x10d: {  	[sflag:s16] =	ssyncadd.s32 $0xFFFFC000  }
0x10e: {  	[tilespmem:s25], [sflag:$0x3] =	stream.linear.gather [hbm4b:s1+s2], $0x4000, $0x38;
	[tilespmem:$0x18000] =	vst v63  }
0x10f: {  	_ =	swait.ge [sflag:s30], $0x4000  }
0x110: {  	s1 =	sld [smem:$0x7FA]  }
0x111: {  	[sflag:s30] =	ssyncset.done $0x0  }
0x112: {  	[sflag:s30] =	ssyncadd.s32 $0xFFFFC000  }
0x113: {  	[hbm4b:s1+s2] =	stream.linear.scatter [tilespmem:s19], [sflag:$0xB], $0x4000, $0x38;
	[tilespmem:$0x18000] =	vst v63  }
0x114: {  	_ =	swait.ge [sflag:s15], $0x4000  }
0x115: {  	s1 =	sld [smem:$0x7FB]  }
0x116: {  	[sflag:s15] =	ssyncset.done $0x0  }
0x117: {  	[sflag:s15] =	ssyncadd.s32 $0xFFFFC000  }
0x118: {  	[tilespmem:s21], [sflag:$0x4] =	stream.linear.gather [hbm4b:s1+s2], $0x4000, $0x38;
	[tilespmem:$0x18000] =	vst v63  }
0x119: {  	_ =	swait.ge [sflag:s28], $0x4000  }
0x11a: {  	s1 =	sld [smem:$0x7FC]  }
0x11b: {  	[sflag:s28] =	ssyncset.done $0x0  }
0x11c: {  	[sflag:s28] =	ssyncadd.s32 $0xFFFFC000  }
0x11d: {  	[hbm4b:s1+s2] =	stream.linear.scatter [tilespmem:s17], [sflag:$0xC], $0x4000, $0x38;
	[tilespmem:$0x18000] =	vst v63  }
0x11e: {  	_ =	swait.ge [sflag:s12], $0x4000  }
0x11f: {  	s1 =	sld [smem:$0x7FD]  }
0x120: {  	[sflag:s12] =	ssyncset.done $0x0  }
0x121: {  	[sflag:s12] =	ssyncadd.s32 $0xFFFFC000  }
0x122: {  	[tilespmem:s19], [sflag:$0x5] =	stream.linear.gather [hbm4b:s1+s2], $0x4000, $0x38;
	[tilespmem:$0x18000] =	vst v63  }
0x123: {  	_ =	swait.ge [sflag:s14], $0x4000  }
0x124: {  	[sflag:s14] =	ssyncset.done $0x0  }
0x125: {  	[sflag:s14] =	ssyncadd.s32 $0xFFFFC000  }
0x126: {  	[hbm4b:s26+s2] =	stream.linear.scatter [tilespmem:s2], [sflag:$0x7], $0x4000, $0x38;
	[tilespmem:$0x18000] =	vst v63  }
0x127: {  	_ =	swait.ge [sflag:s11], $0x4000  }
0x128: {  	[sflag:s11] =	ssyncset.done $0x0  }
0x129: {  	[sflag:s11] =	ssyncadd.s32 $0xFFFFC000  }
0x12a: {  	[tilespmem:s17], [sflag:$0x6] =	stream.linear.gather [hbm4b:s24+s2], $0x4000, $0x38;
	[tilespmem:$0x18000] =	vst v63  }
0x12b: {  	_ =	swait.ge [sflag:s10], $0x4000  }
0x12c: {  	[sflag:s10] =	ssyncset.done $0x0  }
0x12d: {  	[sflag:s10] =	ssyncadd.s32 $0xFFFFC000  }
0x12e: {  	[hbm4b:s23+s2] =	stream.linear.scatter [tilespmem:s6], [sflag:$0x8], $0x4000, $0x38;
	[tilespmem:$0x18000] =	vst v63  }
0x12f: {  	_ =	swait.ge [sflag:s4], $0x4000  }
0x130: {  	[sflag:s4] =	ssyncset.done $0x0  }
0x131: {  	[sflag:s4] =	ssyncadd.s32 $0xFFFFC000  }
0x132: {  	[tilespmem:s2], [sflag:$0x1] =	stream.linear.gather [hbm4b:s22+s2], $0x4000, $0x38;
	[tilespmem:$0x18000] =	vst v63  }
0x133: {  	_ =	swait.ge [sflag:s31], $0x4000  }
0x134: {  	[sflag:s31] =	ssyncset.done $0x0  }
0x135: {  	[sflag:s31] =	ssyncadd.s32 $0xFFFFC000  }
0x136: {  	[hbm4b:s20+s2] =	stream.linear.scatter [tilespmem:s25], [sflag:$0x9], $0x4000, $0x38;
	[tilespmem:$0x18000] =	vst v63  }
0x137: {  	_ =	swait.ge [sflag:s3], $0x4000  }
0x138: {  	[sflag:s3] =	ssyncset.done $0x0  }
0x139: {  	[sflag:s3] =	ssyncadd.s32 $0xFFFFC000  }
0x13a: {  	[tilespmem:s6], [sflag:$0x2] =	stream.linear.gather [hbm4b:s18+s2], $0x4000, $0x38;
	[tilespmem:$0x18000] =	vst v63  }
0x13b: {  	_ =	swait.ge [sflag:s29], $0x4000  }
0x13c: {  	[sflag:s29] =	ssyncset.done $0x0  }
0x13d: {  	[sflag:s29] =	ssyncadd.s32 $0xFFFFC000  }
0x13e: {  	[hbm4b:s13+s2] =	stream.linear.scatter [tilespmem:s21], [sflag:$0xA], $0x4000, $0x38;
	[tilespmem:$0x18000] =	vst v63  }
0x13f: {  	_ =	swait.ge [sflag:s30], $0x4000  }
0x140: {  	[sflag:s30] =	ssyncset.done $0x0  }
0x141: {  	[sflag:s30] =	ssyncadd.s32 $0xFFFFC000  }
0x142: {  	[hbm4b:s9+s2] =	stream.linear.scatter [tilespmem:s19], [sflag:$0xB], $0x4000, $0x38;
	[tilespmem:$0x18000] =	vst v63  }
0x143: {  	_ =	swait.ge [sflag:s28], $0x4000  }
0x144: {  	[sflag:s28] =	ssyncset.done $0x0  }
0x145: {  	[sflag:s28] =	ssyncadd.s32 $0xFFFFC000  }
0x146: {  	[hbm4b:s8+s2] =	stream.linear.scatter [tilespmem:s17], [sflag:$0xC], $0x4000, $0x38;
	[tilespmem:$0x18000] =	vst v63  }
0x147: {  	_ =	swait.ge [sflag:s14], $0x4000  }
0x148: {  	[sflag:s14] =	ssyncset.done $0x0  }
0x149: {  	[sflag:s14] =	ssyncadd.s32 $0xFFFFC000  }
0x14a: {  	[hbm4b:s7+s2] =	stream.linear.scatter [tilespmem:s2], [sflag:$0x7], $0x4000, $0x38;
	[tilespmem:$0x18000] =	vst v63  }
0x14b: {  	_ =	swait.ge [sflag:s10], $0x4000  }
0x14c: {  	[sflag:s10] =	ssyncset.done $0x0  }
0x14d: {  	[sflag:s10] =	ssyncadd.s32 $0xFFFFC000  }
0x14e: {  	[hbm4b:s5+s2] =	stream.linear.scatter [tilespmem:s6], [sflag:$0x8], $0x4000, $0x38;
	[tilespmem:$0x18000] =	vst v63  }
0x14f: {  	_ =	swait.ge [sflag:s16], $0x4000  }
0x150: {  	[sflag:s16] =	ssyncset.done $0x0  }
0x151: {  	[sflag:s16] =	ssyncadd.s32 $0xFFFFC000  }
0x152: {  	_ =	swait.ge [sflag:s15], $0x4000  }
0x153: {  	[sflag:s15] =	ssyncset.done $0x0  }
0x154: {  	[sflag:s15] =	ssyncadd.s32 $0xFFFFC000  }
0x155: {  	_ =	swait.ge [sflag:s12], $0x4000  }
0x156: {  	[sflag:s12] =	ssyncset.done $0x0  }
0x157: {  	[sflag:s12] =	ssyncadd.s32 $0xFFFFC000  }
0x158: {  	_ =	swait.ge [sflag:s11], $0x4000  }
0x159: {  	[sflag:s11] =	ssyncset.done $0x0  }
0x15a: {  	[sflag:s11] =	ssyncadd.s32 $0xFFFFC000  }
0x15b: {  	_ =	swait.ge [sflag:s4], $0x4000  }
0x15c: {  	s1 =	sld [smem:$0x7E5];
	_ =	sdelay $0x2  }
0x15d: {  	p1 =	sne.s32 s1, $0x1  }
.Ltmp1:
0x15e: {  	_ = 	snop;
	(pc) =	sbr.rel @!p1 .LBB2_3-.Ltmp1, $4  }
0x15f: {  	[sflag:s4] =	ssyncset.done $0x0  }
0x160: {  	[sflag:s4] =	ssyncadd.s32 $0xFFFFC000  }
0x161: {  	p0 =	por $0x1, $0x1;
	_ =	swait.ge [sflag:s3], $0x4000  }
0x162: {  	s0 =	sadd.s32 $0xFFFFFFFF, s1;
	s1 =	rddreg [dreg:$0x3];
	[sflag:s3] =	ssyncset.done $0x0  }
.LBB2_2:
0x163: {  	[sflag:s3] =	ssyncadd.s32 $0xFFFFC000;
	s11 =	simm.s32 $0x4000  }
0x164: {  	s17 =	smov.u32 s26;
	s26 =	smov.u32 s24;
	s24 =	smov.u32 s23  }
0x165: {  	s23 =	smov.u32 s22;
	s22 =	smov.u32 s20;
	s20 =	smov.u32 s18  }
0x166: {  	s18 =	smov.u32 s13;
	s13 =	smov.u32 s9;
	s9 =	smov.u32 s8  }
0x167: {  	[tilespmem:s2], [sflag:$0x1] =	stream.linear.gather [hbm4b:s1+s2], $0x4000, $0x38;
	[tilespmem:$0x18000] =	vst v63  }
0x168: {  	s8 =	smov.u32 s7;
	s7 =	smov.u32 s5;
	s5 =	rddreg [dreg:$0x4]  }
0x169: {  	[tilespmem:s11], [sflag:$0x2] =	stream.linear.gather [hbm4b:s5+s2], $0x4000, $0x38;
	[tilespmem:$0x18000] =	vst v63  }
0x16a: {  	s6 =	simm.s32 $0x8000;
	s1 =	rddreg [dreg:$0x5]  }
0x16b: {  	[tilespmem:s6], [sflag:$0x3] =	stream.linear.gather [hbm4b:s1+s2], $0x4000, $0x38;
	[tilespmem:$0x18000] =	vst v63  }
0x16c: {  	s25 =	simm.s32 $0xC000;
	s5 =	rddreg [dreg:$0x6]  }
0x16d: {  	[tilespmem:s25], [sflag:$0x4] =	stream.linear.gather [hbm4b:s5+s2], $0x4000, $0x38;
	[tilespmem:$0x18000] =	vst v63  }
0x16e: {  	s21 =	simm.s32 $0x10000;
	s1 =	rddreg [dreg:$0x7]  }
0x16f: {  	[tilespmem:s21], [sflag:$0x5] =	stream.linear.gather [hbm4b:s1+s2], $0x4000, $0x38;
	[tilespmem:$0x18000] =	vst v63  }
0x170: {  	s19 =	simm.s32 $0x14000;
	s5 =	rddreg [dreg:$0x8]  }
0x171: {  	[tilespmem:s19], [sflag:$0x6] =	stream.linear.gather [hbm4b:s5+s2], $0x4000, $0x38;
	[tilespmem:$0x18000] =	vst v63  }
0x172: {  	_ =	swait.ge [sflag:s14], $0x4000  }
0x173: {  	[sflag:s14] =	ssyncset.done $0x0  }
0x174: {  	s1 =	rddreg [dreg:$0x9];
	[sflag:s14] =	ssyncadd.s32 $0xFFFFC000  }
0x175: {  	[hbm4b:s1+s2] =	stream.linear.scatter [tilespmem:s2], [sflag:$0x7], $0x4000, $0x38;
	[tilespmem:$0x18000] =	vst v63  }
0x176: {  	_ =	swait.ge [sflag:s10], $0x4000  }
0x177: {  	[sflag:s10] =	ssyncset.done $0x0  }
0x178: {  	s6 =	simm.s32 $0x4000;
	s1 =	rddreg [dreg:$0xa];
	[sflag:s10] =	ssyncadd.s32 $0xFFFFC000  }
0x179: {  	[hbm4b:s1+s2] =	stream.linear.scatter [tilespmem:s6], [sflag:$0x8], $0x4000, $0x38;
	[tilespmem:$0x18000] =	vst v63  }
0x17a: {  	_ =	swait.ge [sflag:s4], $0x4000  }
0x17b: {  	[sflag:s4] =	ssyncset.done $0x0  }
0x17c: {  	s1 =	rddreg [dreg:$0xb];
	[sflag:s4] =	ssyncadd.s32 $0xFFFFC000  }
0x17d: {  	[tilespmem:s2], [sflag:$0x1] =	stream.linear.gather [hbm4b:s1+s2], $0x4000, $0x38;
	[tilespmem:$0x18000] =	vst v63  }
0x17e: {  	_ =	swait.ge [sflag:s31], $0x4000  }
0x17f: {  	[sflag:s31] =	ssyncset.done $0x0  }
0x180: {  	s25 =	simm.s32 $0x8000;
	s1 =	rddreg [dreg:$0xc];
	[sflag:s31] =	ssyncadd.s32 $0xFFFFC000  }
0x181: {  	[hbm4b:s1+s2] =	stream.linear.scatter [tilespmem:s25], [sflag:$0x9], $0x4000, $0x38;
	[tilespmem:$0x18000] =	vst v63  }
0x182: {  	_ =	swait.ge [sflag:s3], $0x4000  }
0x183: {  	[sflag:s3] =	ssyncset.done $0x0  }
0x184: {  	s1 =	rddreg [dreg:$0xd];
	[sflag:s3] =	ssyncadd.s32 $0xFFFFC000  }
0x185: {  	[tilespmem:s6], [sflag:$0x2] =	stream.linear.gather [hbm4b:s1+s2], $0x4000, $0x38;
	[tilespmem:$0x18000] =	vst v63  }
0x186: {  	_ =	swait.ge [sflag:s29], $0x4000  }
0x187: {  	[sflag:s29] =	ssyncset.done $0x0  }
0x188: {  	s21 =	simm.s32 $0xC000;
	s1 =	rddreg [dreg:$0xe];
	[sflag:s29] =	ssyncadd.s32 $0xFFFFC000  }
0x189: {  	[hbm4b:s1+s2] =	stream.linear.scatter [tilespmem:s21], [sflag:$0xA], $0x4000, $0x38;
	[tilespmem:$0x18000] =	vst v63  }
0x18a: {  	_ =	swait.ge [sflag:s16], $0x4000  }
0x18b: {  	[sflag:s16] =	ssyncset.done $0x0  }
0x18c: {  	s1 =	rddreg [dreg:$0xf];
	[sflag:s16] =	ssyncadd.s32 $0xFFFFC000  }
0x18d: {  	[tilespmem:s25], [sflag:$0x3] =	stream.linear.gather [hbm4b:s1+s2], $0x4000, $0x38;
	[tilespmem:$0x18000] =	vst v63  }
0x18e: {  	_ =	swait.ge [sflag:s30], $0x4000  }
0x18f: {  	s19 =	simm.s32 $0x10000;
	s5 =	smov.u32 s7;
	[sflag:s30] =	ssyncset.done $0x0  }
0x190: {  	s7 =	smov.u32 s8;
	s1 =	rddreg [dreg:$0x10];
	[sflag:s30] =	ssyncadd.s32 $0xFFFFC000  }
0x191: {  	[hbm4b:s1+s2] =	stream.linear.scatter [tilespmem:s19], [sflag:$0xB], $0x4000, $0x38;
	[tilespmem:$0x18000] =	vst v63  }
0x192: {  	s8 =	smov.u32 s9;
	s9 =	smov.u32 s13;
	_ =	swait.ge [sflag:s15], $0x4000  }
0x193: {  	s13 =	smov.u32 s18;
	s18 =	smov.u32 s20;
	[sflag:s15] =	ssyncset.done $0x0  }
0x194: {  	s20 =	smov.u32 s22;
	s1 =	rddreg [dreg:$0x11];
	[sflag:s15] =	ssyncadd.s32 $0xFFFFC000  }
0x195: {  	[tilespmem:s21], [sflag:$0x4] =	stream.linear.gather [hbm4b:s1+s2], $0x4000, $0x38;
	[tilespmem:$0x18000] =	vst v63  }
0x196: {  	s22 =	smov.u32 s23;
	s23 =	smov.u32 s24;
	_ =	swait.ge [sflag:s28], $0x4000  }
0x197: {  	s24 =	smov.u32 s26;
	s26 =	smov.u32 s17;
	[sflag:s28] =	ssyncset.done $0x0  }
0x198: {  	s17 =	simm.s32 $0x14000;
	s1 =	rddreg [dreg:$0x12];
	[sflag:s28] =	ssyncadd.s32 $0xFFFFC000  }
0x199: {  	[hbm4b:s1+s2] =	stream.linear.scatter [tilespmem:s17], [sflag:$0xC], $0x4000, $0x38;
	[tilespmem:$0x18000] =	vst v63  }
0x19a: {  	_ =	swait.ge [sflag:s12], $0x4000  }
0x19b: {  	[sflag:s12] =	ssyncset.done $0x0  }
0x19c: {  	s1 =	rddreg [dreg:$0x13];
	[sflag:s12] =	ssyncadd.s32 $0xFFFFC000  }
0x19d: {  	[tilespmem:s19], [sflag:$0x5] =	stream.linear.gather [hbm4b:s1+s2], $0x4000, $0x38;
	[tilespmem:$0x18000] =	vst v63  }
0x19e: {  	_ =	swait.ge [sflag:s14], $0x4000  }
0x19f: {  	[sflag:s14] =	ssyncset.done $0x0  }
0x1a0: {  	s11 =	simm.s32 $0xC;
	s1 =	rddreg [dreg:$0x14];
	[sflag:s14] =	ssyncadd.s32 $0xFFFFC000  }
0x1a1: {  	[hbm4b:s1+s2] =	stream.linear.scatter [tilespmem:s2], [sflag:$0x7], $0x4000, $0x38;
	[tilespmem:$0x18000] =	vst v63  }
0x1a2: {  	_ =	swait.ge [sflag:s11], $0x4000  }
0x1a3: {  	[sflag:s11] =	ssyncset.done $0x0  }
0x1a4: {  	s1 =	rddreg [dreg:$0x15];
	[sflag:s11] =	ssyncadd.s32 $0xFFFFC000  }
0x1a5: {  	[tilespmem:s17], [sflag:$0x6] =	stream.linear.gather [hbm4b:s1+s2], $0x4000, $0x38;
	[tilespmem:$0x18000] =	vst v63  }
0x1a6: {  	_ =	swait.ge [sflag:s10], $0x4000  }
0x1a7: {  	[sflag:s10] =	ssyncset.done $0x0  }
0x1a8: {  	s1 =	rddreg [dreg:$0x16];
	[sflag:s10] =	ssyncadd.s32 $0xFFFFC000  }
0x1a9: {  	[hbm4b:s1+s2] =	stream.linear.scatter [tilespmem:s6], [sflag:$0x8], $0x4000, $0x38;
	[tilespmem:$0x18000] =	vst v63  }
0x1aa: {  	_ =	swait.ge [sflag:s4], $0x4000  }
0x1ab: {  	[sflag:s4] =	ssyncset.done $0x0  }
0x1ac: {  	s1 =	rddreg [dreg:$0x17];
	[sflag:s4] =	ssyncadd.s32 $0xFFFFC000  }
0x1ad: {  	[tilespmem:s2], [sflag:$0x1] =	stream.linear.gather [hbm4b:s1+s2], $0x4000, $0x38;
	[tilespmem:$0x18000] =	vst v63  }
0x1ae: {  	_ =	swait.ge [sflag:s31], $0x4000  }
0x1af: {  	[sflag:s31] =	ssyncset.done $0x0  }
0x1b0: {  	s1 =	rddreg [dreg:$0x18];
	[sflag:s31] =	ssyncadd.s32 $0xFFFFC000  }
0x1b1: {  	[hbm4b:s1+s2] =	stream.linear.scatter [tilespmem:s25], [sflag:$0x9], $0x4000, $0x38;
	[tilespmem:$0x18000] =	vst v63  }
0x1b2: {  	_ =	swait.ge [sflag:s3], $0x4000  }
0x1b3: {  	[sflag:s3] =	ssyncset.done $0x0  }
0x1b4: {  	s1 =	rddreg [dreg:$0x19];
	[sflag:s3] =	ssyncadd.s32 $0xFFFFC000  }
0x1b5: {  	[tilespmem:s6], [sflag:$0x2] =	stream.linear.gather [hbm4b:s1+s2], $0x4000, $0x38;
	[tilespmem:$0x18000] =	vst v63  }
0x1b6: {  	_ =	swait.ge [sflag:s29], $0x4000  }
0x1b7: {  	[sflag:s29] =	ssyncset.done $0x0  }
0x1b8: {  	s1 =	rddreg [dreg:$0x1a];
	[sflag:s29] =	ssyncadd.s32 $0xFFFFC000  }
0x1b9: {  	[hbm4b:s1+s2] =	stream.linear.scatter [tilespmem:s21], [sflag:$0xA], $0x4000, $0x38;
	[tilespmem:$0x18000] =	vst v63  }
0x1ba: {  	_ =	swait.ge [sflag:s16], $0x4000  }
0x1bb: {  	[sflag:s16] =	ssyncset.done $0x0  }
0x1bc: {  	s1 =	rddreg [dreg:$0x1b];
	[sflag:s16] =	ssyncadd.s32 $0xFFFFC000  }
0x1bd: {  	[tilespmem:s25], [sflag:$0x3] =	stream.linear.gather [hbm4b:s1+s2], $0x4000, $0x38;
	[tilespmem:$0x18000] =	vst v63  }
0x1be: {  	_ =	swait.ge [sflag:s30], $0x4000  }
0x1bf: {  	[sflag:s30] =	ssyncset.done $0x0  }
0x1c0: {  	s1 =	rddreg [dreg:$0x1c];
	[sflag:s30] =	ssyncadd.s32 $0xFFFFC000  }
0x1c1: {  	[hbm4b:s1+s2] =	stream.linear.scatter [tilespmem:s19], [sflag:$0xB], $0x4000, $0x38;
	[tilespmem:$0x18000] =	vst v63  }
0x1c2: {  	_ =	swait.ge [sflag:s15], $0x4000  }
0x1c3: {  	[sflag:s15] =	ssyncset.done $0x0  }
0x1c4: {  	s1 =	rddreg [dreg:$0x1d];
	[sflag:s15] =	ssyncadd.s32 $0xFFFFC000  }
0x1c5: {  	[tilespmem:s21], [sflag:$0x4] =	stream.linear.gather [hbm4b:s1+s2], $0x4000, $0x38;
	[tilespmem:$0x18000] =	vst v63  }
0x1c6: {  	_ =	swait.ge [sflag:s28], $0x4000  }
0x1c7: {  	[sflag:s28] =	ssyncset.done $0x0  }
0x1c8: {  	s1 =	rddreg [dreg:$0x1e];
	[sflag:s28] =	ssyncadd.s32 $0xFFFFC000  }
0x1c9: {  	[hbm4b:s1+s2] =	stream.linear.scatter [tilespmem:s17], [sflag:$0xC], $0x4000, $0x38;
	[tilespmem:$0x18000] =	vst v63  }
0x1ca: {  	_ =	swait.ge [sflag:s12], $0x4000  }
0x1cb: {  	[sflag:s12] =	ssyncset.done $0x0  }
0x1cc: {  	s1 =	rddreg [dreg:$0x1f];
	[sflag:s12] =	ssyncadd.s32 $0xFFFFC000  }
0x1cd: {  	[tilespmem:s19], [sflag:$0x5] =	stream.linear.gather [hbm4b:s1+s2], $0x4000, $0x38;
	[tilespmem:$0x18000] =	vst v63  }
0x1ce: {  	_ =	swait.ge [sflag:s14], $0x4000  }
0x1cf: {  	s1 =	sld [smem:$0x7E6]  }
0x1d0: {  	[sflag:s14] =	ssyncset.done $0x0  }
0x1d1: {  	[sflag:s14] =	ssyncadd.s32 $0xFFFFC000  }
0x1d2: {  	[hbm4b:s1+s2] =	stream.linear.scatter [tilespmem:s2], [sflag:$0x7], $0x4000, $0x38;
	[tilespmem:$0x18000] =	vst v63  }
0x1d3: {  	_ =	swait.ge [sflag:s11], $0x4000  }
0x1d4: {  	s1 =	sld [smem:$0x7E7]  }
0x1d5: {  	[sflag:s11] =	ssyncset.done $0x0  }
0x1d6: {  	[sflag:s11] =	ssyncadd.s32 $0xFFFFC000  }
0x1d7: {  	[tilespmem:s17], [sflag:$0x6] =	stream.linear.gather [hbm4b:s1+s2], $0x4000, $0x38;
	[tilespmem:$0x18000] =	vst v63  }
0x1d8: {  	_ =	swait.ge [sflag:s10], $0x4000  }
0x1d9: {  	s1 =	sld [smem:$0x7E8]  }
0x1da: {  	[sflag:s10] =	ssyncset.done $0x0  }
0x1db: {  	[sflag:s10] =	ssyncadd.s32 $0xFFFFC000  }
0x1dc: {  	[hbm4b:s1+s2] =	stream.linear.scatter [tilespmem:s6], [sflag:$0x8], $0x4000, $0x38;
	[tilespmem:$0x18000] =	vst v63  }
0x1dd: {  	_ =	swait.ge [sflag:s4], $0x4000  }
0x1de: {  	s1 =	sld [smem:$0x7E9]  }
0x1df: {  	[sflag:s4] =	ssyncset.done $0x0  }
0x1e0: {  	[sflag:s4] =	ssyncadd.s32 $0xFFFFC000  }
0x1e1: {  	[tilespmem:s2], [sflag:$0x1] =	stream.linear.gather [hbm4b:s1+s2], $0x4000, $0x38;
	[tilespmem:$0x18000] =	vst v63  }
0x1e2: {  	_ =	swait.ge [sflag:s31], $0x4000  }
0x1e3: {  	s1 =	sld [smem:$0x7EA]  }
0x1e4: {  	[sflag:s31] =	ssyncset.done $0x0  }
0x1e5: {  	[sflag:s31] =	ssyncadd.s32 $0xFFFFC000  }
0x1e6: {  	[hbm4b:s1+s2] =	stream.linear.scatter [tilespmem:s25], [sflag:$0x9], $0x4000, $0x38;
	[tilespmem:$0x18000] =	vst v63  }
0x1e7: {  	_ =	swait.ge [sflag:s3], $0x4000  }
0x1e8: {  	s1 =	sld [smem:$0x7EB]  }
0x1e9: {  	[sflag:s3] =	ssyncset.done $0x0  }
0x1ea: {  	[sflag:s3] =	ssyncadd.s32 $0xFFFFC000  }
0x1eb: {  	[tilespmem:s6], [sflag:$0x2] =	stream.linear.gather [hbm4b:s1+s2], $0x4000, $0x38;
	[tilespmem:$0x18000] =	vst v63  }
0x1ec: {  	_ =	swait.ge [sflag:s29], $0x4000  }
0x1ed: {  	s1 =	sld [smem:$0x7EC]  }
0x1ee: {  	[sflag:s29] =	ssyncset.done $0x0  }
0x1ef: {  	[sflag:s29] =	ssyncadd.s32 $0xFFFFC000  }
0x1f0: {  	[hbm4b:s1+s2] =	stream.linear.scatter [tilespmem:s21], [sflag:$0xA], $0x4000, $0x38;
	[tilespmem:$0x18000] =	vst v63  }
0x1f1: {  	_ =	swait.ge [sflag:s16], $0x4000  }
0x1f2: {  	s1 =	sld [smem:$0x7ED]  }
0x1f3: {  	[sflag:s16] =	ssyncset.done $0x0  }
0x1f4: {  	[sflag:s16] =	ssyncadd.s32 $0xFFFFC000  }
0x1f5: {  	[tilespmem:s25], [sflag:$0x3] =	stream.linear.gather [hbm4b:s1+s2], $0x4000, $0x38;
	[tilespmem:$0x18000] =	vst v63  }
0x1f6: {  	_ =	swait.ge [sflag:s30], $0x4000  }
0x1f7: {  	s1 =	sld [smem:$0x7EE]  }
0x1f8: {  	[sflag:s30] =	ssyncset.done $0x0  }
0x1f9: {  	[sflag:s30] =	ssyncadd.s32 $0xFFFFC000  }
0x1fa: {  	[hbm4b:s1+s2] =	stream.linear.scatter [tilespmem:s19], [sflag:$0xB], $0x4000, $0x38;
	[tilespmem:$0x18000] =	vst v63  }
0x1fb: {  	_ =	swait.ge [sflag:s15], $0x4000  }
0x1fc: {  	s1 =	sld [smem:$0x7EF]  }
0x1fd: {  	[sflag:s15] =	ssyncset.done $0x0  }
0x1fe: {  	[sflag:s15] =	ssyncadd.s32 $0xFFFFC000  }
0x1ff: {  	[tilespmem:s21], [sflag:$0x4] =	stream.linear.gather [hbm4b:s1+s2], $0x4000, $0x38;
	[tilespmem:$0x18000] =	vst v63  }
0x200: {  	_ =	swait.ge [sflag:s28], $0x4000  }
0x201: {  	s1 =	sld [smem:$0x7F0]  }
0x202: {  	[sflag:s28] =	ssyncset.done $0x0  }
0x203: {  	[sflag:s28] =	ssyncadd.s32 $0xFFFFC000  }
0x204: {  	[hbm4b:s1+s2] =	stream.linear.scatter [tilespmem:s17], [sflag:$0xC], $0x4000, $0x38;
	[tilespmem:$0x18000] =	vst v63  }
0x205: {  	_ =	swait.ge [sflag:s12], $0x4000  }
0x206: {  	s1 =	sld [smem:$0x7F1]  }
0x207: {  	[sflag:s12] =	ssyncset.done $0x0  }
0x208: {  	[sflag:s12] =	ssyncadd.s32 $0xFFFFC000  }
0x209: {  	[tilespmem:s19], [sflag:$0x5] =	stream.linear.gather [hbm4b:s1+s2], $0x4000, $0x38;
	[tilespmem:$0x18000] =	vst v63  }
0x20a: {  	_ =	swait.ge [sflag:s14], $0x4000  }
0x20b: {  	s1 =	sld [smem:$0x7F2]  }
0x20c: {  	[sflag:s14] =	ssyncset.done $0x0  }
0x20d: {  	[sflag:s14] =	ssyncadd.s32 $0xFFFFC000  }
0x20e: {  	[hbm4b:s1+s2] =	stream.linear.scatter [tilespmem:s2], [sflag:$0x7], $0x4000, $0x38;
	[tilespmem:$0x18000] =	vst v63  }
0x20f: {  	_ =	swait.ge [sflag:s11], $0x4000  }
0x210: {  	s1 =	sld [smem:$0x7F3]  }
0x211: {  	[sflag:s11] =	ssyncset.done $0x0  }
0x212: {  	[sflag:s11] =	ssyncadd.s32 $0xFFFFC000  }
0x213: {  	[tilespmem:s17], [sflag:$0x6] =	stream.linear.gather [hbm4b:s1+s2], $0x4000, $0x38;
	[tilespmem:$0x18000] =	vst v63  }
0x214: {  	_ =	swait.ge [sflag:s10], $0x4000  }
0x215: {  	s1 =	sld [smem:$0x7F4]  }
0x216: {  	[sflag:s10] =	ssyncset.done $0x0  }
0x217: {  	[sflag:s10] =	ssyncadd.s32 $0xFFFFC000  }
0x218: {  	[hbm4b:s1+s2] =	stream.linear.scatter [tilespmem:s6], [sflag:$0x8], $0x4000, $0x38;
	[tilespmem:$0x18000] =	vst v63  }
0x219: {  	_ =	swait.ge [sflag:s4], $0x4000  }
0x21a: {  	s1 =	sld [smem:$0x7F5]  }
0x21b: {  	[sflag:s4] =	ssyncset.done $0x0  }
0x21c: {  	[sflag:s4] =	ssyncadd.s32 $0xFFFFC000  }
0x21d: {  	[tilespmem:s2], [sflag:$0x1] =	stream.linear.gather [hbm4b:s1+s2], $0x4000, $0x38;
	[tilespmem:$0x18000] =	vst v63  }
0x21e: {  	_ =	swait.ge [sflag:s31], $0x4000  }
0x21f: {  	s1 =	sld [smem:$0x7F6]  }
0x220: {  	[sflag:s31] =	ssyncset.done $0x0  }
0x221: {  	[sflag:s31] =	ssyncadd.s32 $0xFFFFC000  }
0x222: {  	[hbm4b:s1+s2] =	stream.linear.scatter [tilespmem:s25], [sflag:$0x9], $0x4000, $0x38;
	[tilespmem:$0x18000] =	vst v63  }
0x223: {  	_ =	swait.ge [sflag:s3], $0x4000  }
0x224: {  	s1 =	sld [smem:$0x7F7]  }
0x225: {  	[sflag:s3] =	ssyncset.done $0x0  }
0x226: {  	[sflag:s3] =	ssyncadd.s32 $0xFFFFC000  }
0x227: {  	[tilespmem:s6], [sflag:$0x2] =	stream.linear.gather [hbm4b:s1+s2], $0x4000, $0x38;
	[tilespmem:$0x18000] =	vst v63  }
0x228: {  	_ =	swait.ge [sflag:s29], $0x4000  }
0x229: {  	s1 =	sld [smem:$0x7F8]  }
0x22a: {  	[sflag:s29] =	ssyncset.done $0x0  }
0x22b: {  	[sflag:s29] =	ssyncadd.s32 $0xFFFFC000  }
0x22c: {  	[hbm4b:s1+s2] =	stream.linear.scatter [tilespmem:s21], [sflag:$0xA], $0x4000, $0x38;
	[tilespmem:$0x18000] =	vst v63  }
0x22d: {  	_ =	swait.ge [sflag:s16], $0x4000  }
0x22e: {  	s1 =	sld [smem:$0x7F9]  }
0x22f: {  	[sflag:s16] =	ssyncset.done $0x0  }
0x230: {  	[sflag:s16] =	ssyncadd.s32 $0xFFFFC000  }
0x231: {  	[tilespmem:s25], [sflag:$0x3] =	stream.linear.gather [hbm4b:s1+s2], $0x4000, $0x38;
	[tilespmem:$0x18000] =	vst v63  }
0x232: {  	_ =	swait.ge [sflag:s30], $0x4000  }
0x233: {  	s1 =	sld [smem:$0x7FA]  }
0x234: {  	[sflag:s30] =	ssyncset.done $0x0  }
0x235: {  	[sflag:s30] =	ssyncadd.s32 $0xFFFFC000  }
0x236: {  	[hbm4b:s1+s2] =	stream.linear.scatter [tilespmem:s19], [sflag:$0xB], $0x4000, $0x38;
	[tilespmem:$0x18000] =	vst v63  }
0x237: {  	_ =	swait.ge [sflag:s15], $0x4000  }
0x238: {  	s1 =	sld [smem:$0x7FB]  }
0x239: {  	[sflag:s15] =	ssyncset.done $0x0  }
0x23a: {  	[sflag:s15] =	ssyncadd.s32 $0xFFFFC000  }
0x23b: {  	[tilespmem:s21], [sflag:$0x4] =	stream.linear.gather [hbm4b:s1+s2], $0x4000, $0x38;
	[tilespmem:$0x18000] =	vst v63  }
0x23c: {  	_ =	swait.ge [sflag:s28], $0x4000  }
0x23d: {  	s1 =	sld [smem:$0x7FC]  }
0x23e: {  	[sflag:s28] =	ssyncset.done $0x0  }
0x23f: {  	[sflag:s28] =	ssyncadd.s32 $0xFFFFC000  }
0x240: {  	[hbm4b:s1+s2] =	stream.linear.scatter [tilespmem:s17], [sflag:$0xC], $0x4000, $0x38;
	[tilespmem:$0x18000] =	vst v63  }
0x241: {  	_ =	swait.ge [sflag:s12], $0x4000  }
0x242: {  	s1 =	sld [smem:$0x7FD]  }
0x243: {  	[sflag:s12] =	ssyncset.done $0x0  }
0x244: {  	[sflag:s12] =	ssyncadd.s32 $0xFFFFC000  }
0x245: {  	[tilespmem:s19], [sflag:$0x5] =	stream.linear.gather [hbm4b:s1+s2], $0x4000, $0x38;
	[tilespmem:$0x18000] =	vst v63  }
0x246: {  	_ =	swait.ge [sflag:s14], $0x4000  }
0x247: {  	[sflag:s14] =	ssyncset.done $0x0  }
0x248: {  	[sflag:s14] =	ssyncadd.s32 $0xFFFFC000  }
0x249: {  	[hbm4b:s26+s2] =	stream.linear.scatter [tilespmem:s2], [sflag:$0x7], $0x4000, $0x38;
	[tilespmem:$0x18000] =	vst v63  }
0x24a: {  	_ =	swait.ge [sflag:s11], $0x4000  }
0x24b: {  	[sflag:s11] =	ssyncset.done $0x0  }
0x24c: {  	[sflag:s11] =	ssyncadd.s32 $0xFFFFC000  }
0x24d: {  	[tilespmem:s17], [sflag:$0x6] =	stream.linear.gather [hbm4b:s24+s2], $0x4000, $0x38;
	[tilespmem:$0x18000] =	vst v63  }
0x24e: {  	_ =	swait.ge [sflag:s10], $0x4000  }
0x24f: {  	[sflag:s10] =	ssyncset.done $0x0  }
0x250: {  	[sflag:s10] =	ssyncadd.s32 $0xFFFFC000  }
0x251: {  	[hbm4b:s23+s2] =	stream.linear.scatter [tilespmem:s6], [sflag:$0x8], $0x4000, $0x38;
	[tilespmem:$0x18000] =	vst v63  }
0x252: {  	_ =	swait.ge [sflag:s4], $0x4000  }
0x253: {  	[sflag:s4] =	ssyncset.done $0x0  }
0x254: {  	[sflag:s4] =	ssyncadd.s32 $0xFFFFC000  }
0x255: {  	[tilespmem:s2], [sflag:$0x1] =	stream.linear.gather [hbm4b:s22+s2], $0x4000, $0x38;
	[tilespmem:$0x18000] =	vst v63  }
0x256: {  	_ =	swait.ge [sflag:s31], $0x4000  }
0x257: {  	[sflag:s31] =	ssyncset.done $0x0  }
0x258: {  	[sflag:s31] =	ssyncadd.s32 $0xFFFFC000  }
0x259: {  	[hbm4b:s20+s2] =	stream.linear.scatter [tilespmem:s25], [sflag:$0x9], $0x4000, $0x38;
	[tilespmem:$0x18000] =	vst v63  }
0x25a: {  	_ =	swait.ge [sflag:s3], $0x4000  }
0x25b: {  	[sflag:s3] =	ssyncset.done $0x0  }
0x25c: {  	[sflag:s3] =	ssyncadd.s32 $0xFFFFC000  }
0x25d: {  	[tilespmem:s6], [sflag:$0x2] =	stream.linear.gather [hbm4b:s18+s2], $0x4000, $0x38;
	[tilespmem:$0x18000] =	vst v63  }
0x25e: {  	_ =	swait.ge [sflag:s29], $0x4000  }
0x25f: {  	[sflag:s29] =	ssyncset.done $0x0  }
0x260: {  	[sflag:s29] =	ssyncadd.s32 $0xFFFFC000  }
0x261: {  	[hbm4b:s13+s2] =	stream.linear.scatter [tilespmem:s21], [sflag:$0xA], $0x4000, $0x38;
	[tilespmem:$0x18000] =	vst v63  }
0x262: {  	_ =	swait.ge [sflag:s30], $0x4000  }
0x263: {  	[sflag:s30] =	ssyncset.done $0x0  }
0x264: {  	[sflag:s30] =	ssyncadd.s32 $0xFFFFC000  }
0x265: {  	[hbm4b:s9+s2] =	stream.linear.scatter [tilespmem:s19], [sflag:$0xB], $0x4000, $0x38;
	[tilespmem:$0x18000] =	vst v63  }
0x266: {  	_ =	swait.ge [sflag:s28], $0x4000  }
0x267: {  	[sflag:s28] =	ssyncset.done $0x0  }
0x268: {  	[sflag:s28] =	ssyncadd.s32 $0xFFFFC000  }
0x269: {  	[hbm4b:s8+s2] =	stream.linear.scatter [tilespmem:s17], [sflag:$0xC], $0x4000, $0x38;
	[tilespmem:$0x18000] =	vst v63  }
0x26a: {  	_ =	swait.ge [sflag:s14], $0x4000  }
0x26b: {  	[sflag:s14] =	ssyncset.done $0x0  }
0x26c: {  	[sflag:s14] =	ssyncadd.s32 $0xFFFFC000  }
0x26d: {  	[hbm4b:s7+s2] =	stream.linear.scatter [tilespmem:s2], [sflag:$0x7], $0x4000, $0x38;
	[tilespmem:$0x18000] =	vst v63  }
0x26e: {  	_ =	swait.ge [sflag:s10], $0x4000  }
0x26f: {  	[sflag:s10] =	ssyncset.done $0x0  }
0x270: {  	[sflag:s10] =	ssyncadd.s32 $0xFFFFC000  }
0x271: {  	[hbm4b:s5+s2] =	stream.linear.scatter [tilespmem:s6], [sflag:$0x8], $0x4000, $0x38;
	[tilespmem:$0x18000] =	vst v63  }
0x272: {  	_ =	swait.ge [sflag:s16], $0x4000  }
0x273: {  	[sflag:s16] =	ssyncset.done $0x0  }
0x274: {  	[sflag:s16] =	ssyncadd.s32 $0xFFFFC000  }
0x275: {  	_ =	swait.ge [sflag:s15], $0x4000  }
0x276: {  	[sflag:s15] =	ssyncset.done $0x0  }
0x277: {  	[sflag:s15] =	ssyncadd.s32 $0xFFFFC000  }
0x278: {  	_ =	swait.ge [sflag:s12], $0x4000  }
0x279: {  	[sflag:s12] =	ssyncset.done $0x0  }
0x27a: {  	[sflag:s12] =	ssyncadd.s32 $0xFFFFC000  }
0x27b: {  	_ =	swait.ge [sflag:s11], $0x4000  }
0x27c: {  	[sflag:s11] =	ssyncset.done $0x0  }
0x27d: {  	p1 =	sne.s32 s0, $0x1;
	[sflag:s11] =	ssyncadd.s32 $0xFFFFC000  }
.Ltmp2:
0x27e: {  	_ =	swait.ge [sflag:s4], $0x4000;
	(pc) =	sbr.rel @p1 .LBB2_2-.Ltmp2, $4  }
0x27f: {  	[sflag:s4] =	ssyncset.done $0x0  }
0x280: {  	[sflag:s4] =	ssyncadd.s32 $0xFFFFC000  }
0x281: {  	_ =	swait.ge [sflag:s3], $0x4000  }
0x282: {  	s0 =	sadd.s32 $0xFFFFFFFF, s0;
	s1 =	rddreg [dreg:$0x3];
	[sflag:s3] =	ssyncset.done $0x0  }
.LBB2_3:
0x283: {  	[sflag:s3] =	ssyncadd.s32 @p0 $0xFFFFC000  }
0x284: {  	[tilespmem:s2], [sflag:$0x1] =	stream.linear.gather [hbm4b:s1+s2], $0x4000, $0x38;
	[tilespmem:$0x18000] =	vst v63  }
0x285: {  	s0 =	rddreg [dreg:$0x4]  }
0x286: {  	[tilespmem:s6], [sflag:$0x2] =	stream.linear.gather [hbm4b:s0+s2], $0x4000, $0x38;
	[tilespmem:$0x18000] =	vst v63  }
0x287: {  	s1 =	rddreg [dreg:$0x5]  }
0x288: {  	[tilespmem:s25], [sflag:$0x3] =	stream.linear.gather [hbm4b:s1+s2], $0x4000, $0x38;
	[tilespmem:$0x18000] =	vst v63  }
0x289: {  	s0 =	rddreg [dreg:$0x6]  }
0x28a: {  	[tilespmem:s21], [sflag:$0x4] =	stream.linear.gather [hbm4b:s0+s2], $0x4000, $0x38;
	[tilespmem:$0x18000] =	vst v63  }
0x28b: {  	s1 =	rddreg [dreg:$0x7]  }
0x28c: {  	[tilespmem:s19], [sflag:$0x5] =	stream.linear.gather [hbm4b:s1+s2], $0x4000, $0x38;
	[tilespmem:$0x18000] =	vst v63  }
0x28d: {  	s0 =	rddreg [dreg:$0x8]  }
0x28e: {  	[tilespmem:s17], [sflag:$0x6] =	stream.linear.gather [hbm4b:s0+s2], $0x4000, $0x38;
	[tilespmem:$0x18000] =	vst v63  }
0x28f: {  	_ =	swait.ge [sflag:s14], $0x4000  }
0x290: {  	[sflag:s14] =	ssyncset.done $0x0  }
0x291: {  	s1 =	rddreg [dreg:$0x9];
	[sflag:s14] =	ssyncadd.s32 $0xFFFFC000  }
0x292: {  	[hbm4b:s1+s2] =	stream.linear.scatter [tilespmem:s2], [sflag:$0x7], $0x4000, $0x38;
	[tilespmem:$0x18000] =	vst v63  }
0x293: {  	_ =	swait.ge [sflag:s10], $0x4000  }
0x294: {  	[sflag:s10] =	ssyncset.done $0x0  }
0x295: {  	s1 =	rddreg [dreg:$0xa];
	[sflag:s10] =	ssyncadd.s32 $0xFFFFC000  }
0x296: {  	[hbm4b:s1+s2] =	stream.linear.scatter [tilespmem:s6], [sflag:$0x8], $0x4000, $0x38;
	[tilespmem:$0x18000] =	vst v63  }
0x297: {  	_ =	swait.ge [sflag:s4], $0x4000  }
0x298: {  	[sflag:s4] =	ssyncset.done $0x0  }
0x299: {  	s1 =	rddreg [dreg:$0xb];
	[sflag:s4] =	ssyncadd.s32 $0xFFFFC000  }
0x29a: {  	[tilespmem:s2], [sflag:$0x1] =	stream.linear.gather [hbm4b:s1+s2], $0x4000, $0x38;
	[tilespmem:$0x18000] =	vst v63  }
0x29b: {  	_ =	swait.ge [sflag:s31], $0x4000  }
0x29c: {  	[sflag:s31] =	ssyncset.done $0x0  }
0x29d: {  	s1 =	rddreg [dreg:$0xc];
	[sflag:s31] =	ssyncadd.s32 $0xFFFFC000  }
0x29e: {  	[hbm4b:s1+s2] =	stream.linear.scatter [tilespmem:s25], [sflag:$0x9], $0x4000, $0x38;
	[tilespmem:$0x18000] =	vst v63  }
0x29f: {  	_ =	swait.ge [sflag:s3], $0x4000  }
0x2a0: {  	[sflag:s3] =	ssyncset.done $0x0  }
0x2a1: {  	s1 =	rddreg [dreg:$0xd];
	[sflag:s3] =	ssyncadd.s32 $0xFFFFC000  }
0x2a2: {  	[tilespmem:s6], [sflag:$0x2] =	stream.linear.gather [hbm4b:s1+s2], $0x4000, $0x38;
	[tilespmem:$0x18000] =	vst v63  }
0x2a3: {  	_ =	swait.ge [sflag:s29], $0x4000  }
0x2a4: {  	[sflag:s29] =	ssyncset.done $0x0  }
0x2a5: {  	s1 =	rddreg [dreg:$0xe];
	[sflag:s29] =	ssyncadd.s32 $0xFFFFC000  }
0x2a6: {  	[hbm4b:s1+s2] =	stream.linear.scatter [tilespmem:s21], [sflag:$0xA], $0x4000, $0x38;
	[tilespmem:$0x18000] =	vst v63  }
0x2a7: {  	_ =	swait.ge [sflag:s16], $0x4000  }
0x2a8: {  	[sflag:s16] =	ssyncset.done $0x0  }
0x2a9: {  	s1 =	rddreg [dreg:$0xf];
	[sflag:s16] =	ssyncadd.s32 $0xFFFFC000  }
0x2aa: {  	[tilespmem:s25], [sflag:$0x3] =	stream.linear.gather [hbm4b:s1+s2], $0x4000, $0x38;
	[tilespmem:$0x18000] =	vst v63  }
0x2ab: {  	_ =	swait.ge [sflag:s30], $0x4000  }
0x2ac: {  	[sflag:s30] =	ssyncset.done $0x0  }
0x2ad: {  	s1 =	rddreg [dreg:$0x10];
	[sflag:s30] =	ssyncadd.s32 $0xFFFFC000  }
0x2ae: {  	[hbm4b:s1+s2] =	stream.linear.scatter [tilespmem:s19], [sflag:$0xB], $0x4000, $0x38;
	[tilespmem:$0x18000] =	vst v63  }
0x2af: {  	_ =	swait.ge [sflag:s15], $0x4000  }
0x2b0: {  	[sflag:s15] =	ssyncset.done $0x0  }
0x2b1: {  	s1 =	rddreg [dreg:$0x11];
	[sflag:s15] =	ssyncadd.s32 $0xFFFFC000  }
0x2b2: {  	[tilespmem:s21], [sflag:$0x4] =	stream.linear.gather [hbm4b:s1+s2], $0x4000, $0x38;
	[tilespmem:$0x18000] =	vst v63  }
0x2b3: {  	_ =	swait.ge [sflag:s28], $0x4000  }
0x2b4: {  	[sflag:s28] =	ssyncset.done $0x0  }
0x2b5: {  	s1 =	rddreg [dreg:$0x12];
	[sflag:s28] =	ssyncadd.s32 $0xFFFFC000  }
0x2b6: {  	[hbm4b:s1+s2] =	stream.linear.scatter [tilespmem:s17], [sflag:$0xC], $0x4000, $0x38;
	[tilespmem:$0x18000] =	vst v63  }
0x2b7: {  	_ =	swait.ge [sflag:s12], $0x4000  }
0x2b8: {  	[sflag:s12] =	ssyncset.done $0x0  }
0x2b9: {  	s1 =	rddreg [dreg:$0x13];
	[sflag:s12] =	ssyncadd.s32 $0xFFFFC000  }
0x2ba: {  	[tilespmem:s19], [sflag:$0x5] =	stream.linear.gather [hbm4b:s1+s2], $0x4000, $0x38;
	[tilespmem:$0x18000] =	vst v63  }
0x2bb: {  	_ =	swait.ge [sflag:s14], $0x4000  }
0x2bc: {  	[sflag:s14] =	ssyncset.done $0x0  }
0x2bd: {  	s1 =	rddreg [dreg:$0x14];
	[sflag:s14] =	ssyncadd.s32 $0xFFFFC000  }
0x2be: {  	[hbm4b:s1+s2] =	stream.linear.scatter [tilespmem:s2], [sflag:$0x7], $0x4000, $0x38;
	[tilespmem:$0x18000] =	vst v63  }
0x2bf: {  	_ =	swait.ge [sflag:s11], $0x4000  }
0x2c0: {  	[sflag:s11] =	ssyncset.done $0x0  }
0x2c1: {  	s1 =	rddreg [dreg:$0x15];
	[sflag:s11] =	ssyncadd.s32 $0xFFFFC000  }
0x2c2: {  	[tilespmem:s17], [sflag:$0x6] =	stream.linear.gather [hbm4b:s1+s2], $0x4000, $0x38;
	[tilespmem:$0x18000] =	vst v63  }
0x2c3: {  	_ =	swait.ge [sflag:s10], $0x4000  }
0x2c4: {  	[sflag:s10] =	ssyncset.done $0x0  }
0x2c5: {  	s1 =	rddreg [dreg:$0x16];
	[sflag:s10] =	ssyncadd.s32 $0xFFFFC000  }
0x2c6: {  	[hbm4b:s1+s2] =	stream.linear.scatter [tilespmem:s6], [sflag:$0x8], $0x4000, $0x38;
	[tilespmem:$0x18000] =	vst v63  }
0x2c7: {  	_ =	swait.ge [sflag:s4], $0x4000  }
0x2c8: {  	[sflag:s4] =	ssyncset.done $0x0  }
0x2c9: {  	s1 =	rddreg [dreg:$0x17];
	[sflag:s4] =	ssyncadd.s32 $0xFFFFC000  }
0x2ca: {  	[tilespmem:s2], [sflag:$0x1] =	stream.linear.gather [hbm4b:s1+s2], $0x4000, $0x38;
	[tilespmem:$0x18000] =	vst v63  }
0x2cb: {  	_ =	swait.ge [sflag:s31], $0x4000  }
0x2cc: {  	[sflag:s31] =	ssyncset.done $0x0  }
0x2cd: {  	s1 =	rddreg [dreg:$0x18];
	[sflag:s31] =	ssyncadd.s32 $0xFFFFC000  }
0x2ce: {  	[hbm4b:s1+s2] =	stream.linear.scatter [tilespmem:s25], [sflag:$0x9], $0x4000, $0x38;
	[tilespmem:$0x18000] =	vst v63  }
0x2cf: {  	_ =	swait.ge [sflag:s3], $0x4000  }
0x2d0: {  	[sflag:s3] =	ssyncset.done $0x0  }
0x2d1: {  	s1 =	rddreg [dreg:$0x19];
	[sflag:s3] =	ssyncadd.s32 $0xFFFFC000  }
0x2d2: {  	[tilespmem:s6], [sflag:$0x2] =	stream.linear.gather [hbm4b:s1+s2], $0x4000, $0x38;
	[tilespmem:$0x18000] =	vst v63  }
0x2d3: {  	_ =	swait.ge [sflag:s29], $0x4000  }
0x2d4: {  	[sflag:s29] =	ssyncset.done $0x0  }
0x2d5: {  	s1 =	rddreg [dreg:$0x1a];
	[sflag:s29] =	ssyncadd.s32 $0xFFFFC000  }
0x2d6: {  	[hbm4b:s1+s2] =	stream.linear.scatter [tilespmem:s21], [sflag:$0xA], $0x4000, $0x38;
	[tilespmem:$0x18000] =	vst v63  }
0x2d7: {  	_ =	swait.ge [sflag:s16], $0x4000  }
0x2d8: {  	[sflag:s16] =	ssyncset.done $0x0  }
0x2d9: {  	s1 =	rddreg [dreg:$0x1b];
	[sflag:s16] =	ssyncadd.s32 $0xFFFFC000  }
0x2da: {  	[tilespmem:s25], [sflag:$0x3] =	stream.linear.gather [hbm4b:s1+s2], $0x4000, $0x38;
	[tilespmem:$0x18000] =	vst v63  }
0x2db: {  	_ =	swait.ge [sflag:s30], $0x4000  }
0x2dc: {  	[sflag:s30] =	ssyncset.done $0x0  }
0x2dd: {  	s1 =	rddreg [dreg:$0x1c];
	[sflag:s30] =	ssyncadd.s32 $0xFFFFC000  }
0x2de: {  	[hbm4b:s1+s2] =	stream.linear.scatter [tilespmem:s19], [sflag:$0xB], $0x4000, $0x38;
	[tilespmem:$0x18000] =	vst v63  }
0x2df: {  	_ =	swait.ge [sflag:s15], $0x4000  }
0x2e0: {  	[sflag:s15] =	ssyncset.done $0x0  }
0x2e1: {  	s1 =	rddreg [dreg:$0x1d];
	[sflag:s15] =	ssyncadd.s32 $0xFFFFC000  }
0x2e2: {  	[tilespmem:s21], [sflag:$0x4] =	stream.linear.gather [hbm4b:s1+s2], $0x4000, $0x38;
	[tilespmem:$0x18000] =	vst v63  }
0x2e3: {  	_ =	swait.ge [sflag:s28], $0x4000  }
0x2e4: {  	[sflag:s28] =	ssyncset.done $0x0  }
0x2e5: {  	s1 =	rddreg [dreg:$0x1e];
	[sflag:s28] =	ssyncadd.s32 $0xFFFFC000  }
0x2e6: {  	[hbm4b:s1+s2] =	stream.linear.scatter [tilespmem:s17], [sflag:$0xC], $0x4000, $0x38;
	[tilespmem:$0x18000] =	vst v63  }
0x2e7: {  	_ =	swait.ge [sflag:s12], $0x4000  }
0x2e8: {  	[sflag:s12] =	ssyncset.done $0x0  }
0x2e9: {  	s1 =	rddreg [dreg:$0x1f];
	[sflag:s12] =	ssyncadd.s32 $0xFFFFC000  }
0x2ea: {  	[tilespmem:s19], [sflag:$0x5] =	stream.linear.gather [hbm4b:s1+s2], $0x4000, $0x38;
	[tilespmem:$0x18000] =	vst v63  }
0x2eb: {  	_ =	swait.ge [sflag:s14], $0x4000  }
0x2ec: {  	s1 =	sld [smem:$0x7E6]  }
0x2ed: {  	[sflag:s14] =	ssyncset.done $0x0  }
0x2ee: {  	[sflag:s14] =	ssyncadd.s32 $0xFFFFC000  }
0x2ef: {  	[hbm4b:s1+s2] =	stream.linear.scatter [tilespmem:s2], [sflag:$0x7], $0x4000, $0x38;
	[tilespmem:$0x18000] =	vst v63  }
0x2f0: {  	_ =	swait.ge [sflag:s11], $0x4000  }
0x2f1: {  	s1 =	sld [smem:$0x7E7]  }
0x2f2: {  	[sflag:s11] =	ssyncset.done $0x0  }
0x2f3: {  	[sflag:s11] =	ssyncadd.s32 $0xFFFFC000  }
0x2f4: {  	[tilespmem:s17], [sflag:$0x6] =	stream.linear.gather [hbm4b:s1+s2], $0x4000, $0x38;
	[tilespmem:$0x18000] =	vst v63  }
0x2f5: {  	_ =	swait.ge [sflag:s10], $0x4000  }
0x2f6: {  	s1 =	sld [smem:$0x7E8]  }
0x2f7: {  	[sflag:s10] =	ssyncset.done $0x0  }
0x2f8: {  	[sflag:s10] =	ssyncadd.s32 $0xFFFFC000  }
0x2f9: {  	[hbm4b:s1+s2] =	stream.linear.scatter [tilespmem:s6], [sflag:$0x8], $0x4000, $0x38;
	[tilespmem:$0x18000] =	vst v63  }
0x2fa: {  	_ =	swait.ge [sflag:s4], $0x4000  }
0x2fb: {  	s1 =	sld [smem:$0x7E9]  }
0x2fc: {  	[sflag:s4] =	ssyncset.done $0x0  }
0x2fd: {  	[sflag:s4] =	ssyncadd.s32 $0xFFFFC000  }
0x2fe: {  	[tilespmem:s2], [sflag:$0x1] =	stream.linear.gather [hbm4b:s1+s2], $0x4000, $0x38;
	[tilespmem:$0x18000] =	vst v63  }
0x2ff: {  	_ =	swait.ge [sflag:s31], $0x4000  }
0x300: {  	s1 =	sld [smem:$0x7EA]  }
0x301: {  	[sflag:s31] =	ssyncset.done $0x0  }
0x302: {  	[sflag:s31] =	ssyncadd.s32 $0xFFFFC000  }
0x303: {  	[hbm4b:s1+s2] =	stream.linear.scatter [tilespmem:s25], [sflag:$0x9], $0x4000, $0x38;
	[tilespmem:$0x18000] =	vst v63  }
0x304: {  	_ =	swait.ge [sflag:s3], $0x4000  }
0x305: {  	s1 =	sld [smem:$0x7EB]  }
0x306: {  	[sflag:s3] =	ssyncset.done $0x0  }
0x307: {  	[sflag:s3] =	ssyncadd.s32 $0xFFFFC000  }
0x308: {  	[tilespmem:s6], [sflag:$0x2] =	stream.linear.gather [hbm4b:s1+s2], $0x4000, $0x38;
	[tilespmem:$0x18000] =	vst v63  }
0x309: {  	_ =	swait.ge [sflag:s29], $0x4000  }
0x30a: {  	s1 =	sld [smem:$0x7EC]  }
0x30b: {  	[sflag:s29] =	ssyncset.done $0x0  }
0x30c: {  	[sflag:s29] =	ssyncadd.s32 $0xFFFFC000  }
0x30d: {  	[hbm4b:s1+s2] =	stream.linear.scatter [tilespmem:s21], [sflag:$0xA], $0x4000, $0x38;
	[tilespmem:$0x18000] =	vst v63  }
0x30e: {  	_ =	swait.ge [sflag:s16], $0x4000  }
0x30f: {  	s1 =	sld [smem:$0x7ED]  }
0x310: {  	[sflag:s16] =	ssyncset.done $0x0  }
0x311: {  	[sflag:s16] =	ssyncadd.s32 $0xFFFFC000  }
0x312: {  	[tilespmem:s25], [sflag:$0x3] =	stream.linear.gather [hbm4b:s1+s2], $0x4000, $0x38;
	[tilespmem:$0x18000] =	vst v63  }
0x313: {  	_ =	swait.ge [sflag:s30], $0x4000  }
0x314: {  	s1 =	sld [smem:$0x7EE]  }
0x315: {  	[sflag:s30] =	ssyncset.done $0x0  }
0x316: {  	[sflag:s30] =	ssyncadd.s32 $0xFFFFC000  }
0x317: {  	[hbm4b:s1+s2] =	stream.linear.scatter [tilespmem:s19], [sflag:$0xB], $0x4000, $0x38;
	[tilespmem:$0x18000] =	vst v63  }
0x318: {  	_ =	swait.ge [sflag:s15], $0x4000  }
0x319: {  	s1 =	sld [smem:$0x7EF]  }
0x31a: {  	[sflag:s15] =	ssyncset.done $0x0  }
0x31b: {  	[sflag:s15] =	ssyncadd.s32 $0xFFFFC000  }
0x31c: {  	[tilespmem:s21], [sflag:$0x4] =	stream.linear.gather [hbm4b:s1+s2], $0x4000, $0x38;
	[tilespmem:$0x18000] =	vst v63  }
0x31d: {  	_ =	swait.ge [sflag:s28], $0x4000  }
0x31e: {  	s1 =	sld [smem:$0x7F0]  }
0x31f: {  	[sflag:s28] =	ssyncset.done $0x0  }
0x320: {  	[sflag:s28] =	ssyncadd.s32 $0xFFFFC000  }
0x321: {  	[hbm4b:s1+s2] =	stream.linear.scatter [tilespmem:s17], [sflag:$0xC], $0x4000, $0x38;
	[tilespmem:$0x18000] =	vst v63  }
0x322: {  	_ =	swait.ge [sflag:s12], $0x4000  }
0x323: {  	s1 =	sld [smem:$0x7F1]  }
0x324: {  	[sflag:s12] =	ssyncset.done $0x0  }
0x325: {  	[sflag:s12] =	ssyncadd.s32 $0xFFFFC000  }
0x326: {  	[tilespmem:s19], [sflag:$0x5] =	stream.linear.gather [hbm4b:s1+s2], $0x4000, $0x38;
	[tilespmem:$0x18000] =	vst v63  }
0x327: {  	_ =	swait.ge [sflag:s14], $0x4000  }
0x328: {  	s1 =	sld [smem:$0x7F2]  }
0x329: {  	[sflag:s14] =	ssyncset.done $0x0  }
0x32a: {  	[sflag:s14] =	ssyncadd.s32 $0xFFFFC000  }
0x32b: {  	[hbm4b:s1+s2] =	stream.linear.scatter [tilespmem:s2], [sflag:$0x7], $0x4000, $0x38;
	[tilespmem:$0x18000] =	vst v63  }
0x32c: {  	_ =	swait.ge [sflag:s11], $0x4000  }
0x32d: {  	s1 =	sld [smem:$0x7F3]  }
0x32e: {  	[sflag:s11] =	ssyncset.done $0x0  }
0x32f: {  	[sflag:s11] =	ssyncadd.s32 $0xFFFFC000  }
0x330: {  	[tilespmem:s17], [sflag:$0x6] =	stream.linear.gather [hbm4b:s1+s2], $0x4000, $0x38;
	[tilespmem:$0x18000] =	vst v63  }
0x331: {  	_ =	swait.ge [sflag:s10], $0x4000  }
0x332: {  	s1 =	sld [smem:$0x7F4]  }
0x333: {  	[sflag:s10] =	ssyncset.done $0x0  }
0x334: {  	[sflag:s10] =	ssyncadd.s32 $0xFFFFC000  }
0x335: {  	[hbm4b:s1+s2] =	stream.linear.scatter [tilespmem:s6], [sflag:$0x8], $0x4000, $0x38;
	[tilespmem:$0x18000] =	vst v63  }
0x336: {  	_ =	swait.ge [sflag:s4], $0x4000  }
0x337: {  	s1 =	sld [smem:$0x7F5]  }
0x338: {  	[sflag:s4] =	ssyncset.done $0x0  }
0x339: {  	[sflag:s4] =	ssyncadd.s32 $0xFFFFC000  }
0x33a: {  	[tilespmem:s2], [sflag:$0x1] =	stream.linear.gather [hbm4b:s1+s2], $0x4000, $0x38;
	[tilespmem:$0x18000] =	vst v63  }
0x33b: {  	_ =	swait.ge [sflag:s31], $0x4000  }
0x33c: {  	s1 =	sld [smem:$0x7F6]  }
0x33d: {  	[sflag:s31] =	ssyncset.done $0x0  }
0x33e: {  	[sflag:s31] =	ssyncadd.s32 $0xFFFFC000  }
0x33f: {  	[hbm4b:s1+s2] =	stream.linear.scatter [tilespmem:s25], [sflag:$0x9], $0x4000, $0x38;
	[tilespmem:$0x18000] =	vst v63  }
0x340: {  	_ =	swait.ge [sflag:s3], $0x4000  }
0x341: {  	s1 =	sld [smem:$0x7F7]  }
0x342: {  	[sflag:s3] =	ssyncset.done $0x0  }
0x343: {  	[sflag:s3] =	ssyncadd.s32 $0xFFFFC000  }
0x344: {  	[tilespmem:s6], [sflag:$0x2] =	stream.linear.gather [hbm4b:s1+s2], $0x4000, $0x38;
	[tilespmem:$0x18000] =	vst v63  }
0x345: {  	_ =	swait.ge [sflag:s29], $0x4000  }
0x346: {  	s1 =	sld [smem:$0x7F8]  }
0x347: {  	[sflag:s29] =	ssyncset.done $0x0  }
0x348: {  	[sflag:s29] =	ssyncadd.s32 $0xFFFFC000  }
0x349: {  	[hbm4b:s1+s2] =	stream.linear.scatter [tilespmem:s21], [sflag:$0xA], $0x4000, $0x38;
	[tilespmem:$0x18000] =	vst v63  }
0x34a: {  	_ =	swait.ge [sflag:s16], $0x4000  }
0x34b: {  	s1 =	sld [smem:$0x7F9]  }
0x34c: {  	[sflag:s16] =	ssyncset.done $0x0  }
0x34d: {  	[sflag:s16] =	ssyncadd.s32 $0xFFFFC000  }
0x34e: {  	[tilespmem:s25], [sflag:$0x3] =	stream.linear.gather [hbm4b:s1+s2], $0x4000, $0x38;
	[tilespmem:$0x18000] =	vst v63  }
0x34f: {  	_ =	swait.ge [sflag:s30], $0x4000  }
0x350: {  	s1 =	sld [smem:$0x7FA]  }
0x351: {  	[sflag:s30] =	ssyncset.done $0x0  }
0x352: {  	[sflag:s30] =	ssyncadd.s32 $0xFFFFC000  }
0x353: {  	[hbm4b:s1+s2] =	stream.linear.scatter [tilespmem:s19], [sflag:$0xB], $0x4000, $0x38;
	[tilespmem:$0x18000] =	vst v63  }
0x354: {  	_ =	swait.ge [sflag:s15], $0x4000  }
0x355: {  	s1 =	sld [smem:$0x7FB]  }
0x356: {  	[sflag:s15] =	ssyncset.done $0x0  }
0x357: {  	[sflag:s15] =	ssyncadd.s32 $0xFFFFC000  }
0x358: {  	[tilespmem:s21], [sflag:$0x4] =	stream.linear.gather [hbm4b:s1+s2], $0x4000, $0x38;
	[tilespmem:$0x18000] =	vst v63  }
0x359: {  	_ =	swait.ge [sflag:s28], $0x4000  }
0x35a: {  	s1 =	sld [smem:$0x7FC]  }
0x35b: {  	[sflag:s28] =	ssyncset.done $0x0  }
0x35c: {  	[sflag:s28] =	ssyncadd.s32 $0xFFFFC000  }
0x35d: {  	[hbm4b:s1+s2] =	stream.linear.scatter [tilespmem:s17], [sflag:$0xC], $0x4000, $0x38;
	[tilespmem:$0x18000] =	vst v63  }
0x35e: {  	_ =	swait.ge [sflag:s12], $0x4000  }
0x35f: {  	s1 =	sld [smem:$0x7FD]  }
0x360: {  	[sflag:s12] =	ssyncset.done $0x0  }
0x361: {  	[sflag:s12] =	ssyncadd.s32 $0xFFFFC000  }
0x362: {  	[tilespmem:s19], [sflag:$0x5] =	stream.linear.gather [hbm4b:s1+s2], $0x4000, $0x38;
	[tilespmem:$0x18000] =	vst v63  }
0x363: {  	_ =	swait.ge [sflag:s14], $0x4000  }
0x364: {  	[sflag:s14] =	ssyncset.done $0x0  }
0x365: {  	[sflag:s14] =	ssyncadd.s32 $0xFFFFC000  }
0x366: {  	[hbm4b:s26+s2] =	stream.linear.scatter [tilespmem:s2], [sflag:$0x7], $0x4000, $0x38;
	[tilespmem:$0x18000] =	vst v63  }
0x367: {  	_ =	swait.ge [sflag:s11], $0x4000  }
0x368: {  	[sflag:s11] =	ssyncset.done $0x0  }
0x369: {  	[sflag:s11] =	ssyncadd.s32 $0xFFFFC000  }
0x36a: {  	[tilespmem:s17], [sflag:$0x6] =	stream.linear.gather [hbm4b:s24+s2], $0x4000, $0x38;
	[tilespmem:$0x18000] =	vst v63  }
0x36b: {  	_ =	swait.ge [sflag:s10], $0x4000  }
0x36c: {  	[sflag:s10] =	ssyncset.done $0x0  }
0x36d: {  	[sflag:s10] =	ssyncadd.s32 $0xFFFFC000  }
0x36e: {  	[hbm4b:s23+s2] =	stream.linear.scatter [tilespmem:s6], [sflag:$0x8], $0x4000, $0x38;
	[tilespmem:$0x18000] =	vst v63  }
0x36f: {  	_ =	swait.ge [sflag:s4], $0x4000  }
0x370: {  	[sflag:s4] =	ssyncset.done $0x0  }
0x371: {  	[sflag:s4] =	ssyncadd.s32 $0xFFFFC000  }
0x372: {  	[tilespmem:s2], [sflag:$0x1] =	stream.linear.gather [hbm4b:s22+s2], $0x4000, $0x38;
	[tilespmem:$0x18000] =	vst v63  }
0x373: {  	_ =	swait.ge [sflag:s31], $0x4000  }
0x374: {  	[sflag:s31] =	ssyncset.done $0x0  }
0x375: {  	[sflag:s31] =	ssyncadd.s32 $0xFFFFC000  }
0x376: {  	[hbm4b:s20+s2] =	stream.linear.scatter [tilespmem:s25], [sflag:$0x9], $0x4000, $0x38;
	[tilespmem:$0x18000] =	vst v63  }
0x377: {  	_ =	swait.ge [sflag:s3], $0x4000  }
0x378: {  	[sflag:s3] =	ssyncset.done $0x0  }
0x379: {  	[sflag:s3] =	ssyncadd.s32 $0xFFFFC000  }
0x37a: {  	[tilespmem:s6], [sflag:$0x2] =	stream.linear.gather [hbm4b:s18+s2], $0x4000, $0x38;
	[tilespmem:$0x18000] =	vst v63  }
0x37b: {  	_ =	swait.ge [sflag:s29], $0x4000  }
0x37c: {  	[sflag:s29] =	ssyncset.done $0x0  }
0x37d: {  	[sflag:s29] =	ssyncadd.s32 $0xFFFFC000  }
0x37e: {  	[hbm4b:s13+s2] =	stream.linear.scatter [tilespmem:s21], [sflag:$0xA], $0x4000, $0x38;
	[tilespmem:$0x18000] =	vst v63  }
0x37f: {  	_ =	swait.ge [sflag:s30], $0x4000  }
0x380: {  	[sflag:s30] =	ssyncset.done $0x0  }
0x381: {  	[sflag:s30] =	ssyncadd.s32 $0xFFFFC000  }
0x382: {  	[hbm4b:s9+s2] =	stream.linear.scatter [tilespmem:s19], [sflag:$0xB], $0x4000, $0x38;
	[tilespmem:$0x18000] =	vst v63  }
0x383: {  	_ =	swait.ge [sflag:s28], $0x4000  }
0x384: {  	[sflag:s28] =	ssyncset.done $0x0  }
0x385: {  	[sflag:s28] =	ssyncadd.s32 $0xFFFFC000  }
0x386: {  	[hbm4b:s8+s2] =	stream.linear.scatter [tilespmem:s17], [sflag:$0xC], $0x4000, $0x38;
	[tilespmem:$0x18000] =	vst v63  }
0x387: {  	_ =	swait.ge [sflag:s14], $0x4000  }
0x388: {  	[sflag:s14] =	ssyncset.done $0x0  }
0x389: {  	[sflag:s14] =	ssyncadd.s32 $0xFFFFC000  }
0x38a: {  	[hbm4b:s7+s2] =	stream.linear.scatter [tilespmem:s2], [sflag:$0x7], $0x4000, $0x38;
	[tilespmem:$0x18000] =	vst v63  }
0x38b: {  	_ =	swait.ge [sflag:s10], $0x4000  }
0x38c: {  	[sflag:s10] =	ssyncset.done $0x0  }
0x38d: {  	[sflag:s10] =	ssyncadd.s32 $0xFFFFC000  }
0x38e: {  	[hbm4b:s5+s2] =	stream.linear.scatter [tilespmem:s6], [sflag:$0x8], $0x4000, $0x38;
	[tilespmem:$0x18000] =	vst v63  }
0x38f: {  	_ =	swait.ge [sflag:s16], $0x4000  }
0x390: {  	[sflag:s16] =	ssyncset.done $0x0  }
0x391: {  	[sflag:s16] =	ssyncadd.s32 $0xFFFFC000  }
0x392: {  	_ =	swait.ge [sflag:s15], $0x4000  }
0x393: {  	[sflag:s15] =	ssyncset.done $0x0  }
0x394: {  	[sflag:s15] =	ssyncadd.s32 $0xFFFFC000  }
0x395: {  	_ =	swait.ge [sflag:s12], $0x4000  }
0x396: {  	[sflag:s12] =	ssyncset.done $0x0  }
0x397: {  	[sflag:s12] =	ssyncadd.s32 $0xFFFFC000  }
0x398: {  	_ =	swait.ge [sflag:s11], $0x4000  }
0x399: {  	[sflag:s11] =	ssyncset.done $0x0  }
0x39a: {  	[sflag:s11] =	ssyncadd.s32 $0xFFFFC000  }
0x39b: {  	_ =	swait.ge [sflag:s4], $0x4000  }
0x39c: {  	[sflag:s4] =	ssyncset.done $0x0  }
0x39d: {  	[sflag:s4] =	ssyncadd.s32 $0xFFFFC000  }
0x39e: {  	_ =	swait.ge [sflag:s3], $0x4000  }
0x39f: {  	[sflag:s3] =	ssyncset.done $0x0  }
0x3a0: {  	[sflag:s3] =	ssyncadd.s32 $0xFFFFC000  }
0x3a1: {  	_ =	sfence.sel $0x180000  }
0x3a2: {  	[bflag:$0x0] =	sbarrier.arrive $0xFFFF  }
0x3a3: {  	_ =	strace $0x90000047  }
0x3a4: {  	s31 =	stileid.u32;
	[bflag:$0x2] =	sbarrier.arrive $0xFFFF  }
0x3a5: {  	p0 =	sne.s32 s31, $0x0;
	s0 =	rddreg [dreg:$0x2]  }
0x3a6: {  	s0 =	sadd.s32 @!p0 $0x100000, s0  }
0x3a7: {  	[sflag:s0] =	ssyncadd.tile.s32 @!p0 $0x1;
	_ =	shalt  }
.Lfunc_end2:
_tile_overlayer_lowered:
.L_overlay_start_2:
0x3a8: {  	(tag) =	ssettag $0x2  }
0x3a9: {  	s0 =	rddreg [dreg:$0x0];
	s2 =	stileid.u32  }
0x3aa: {  	s1 =	rddreg [dreg:$0x1];
	p0 =	sne.s32 s2, $0x0  }
0x3ab: {  	s3 =	rddreg [dreg:$0x2];
	[bflag:$0x3] =	sbarrier.arrive $0xFFFF;
	s2 =	simm.s32 @!p0 $0x1C0D  }
0x3ac: {  	[timem:s3], [sflag:s2] =	dma.local @!p0 [hbm:s0], s1  }
0x3ad: {  	s0 =	simm.s32 @!p0 $0xD  }
0x3ae: {  	_ =	swait.ge @!p0 [sflag:s0], s1  }
0x3af: {  	s1 =	ssub.s32 @!p0 $0x0, s1;
	[sflag:s0] =	ssyncset.done @!p0 $0x0  }
0x3b0: {  	[sflag:s0] =	ssyncadd.s32 @!p0 s1  }
0x3b1: {  	[bflag:$0x3] =	sbarrier.arrive $0xFFFF  }
0x3b2: {  	_ =	shalt  }

</sc_bundles>
